<compile_context>
chip_gen: v7x
topology: tpu7x:2x2x1
jax: 0.10.2.dev20260603
libtpu: 0.0.44.dev20260713+nightly
codegen_flags: <defaults>
</compile_context>

<pallas_src>
import jax
import jax.numpy as jnp
from jax import lax
from jax.experimental import pallas as pl
from jax.experimental.pallas import tpu as pltpu
from jax.experimental.pallas import tpu_sc as plsc

_V = 1000000
_H = 16
_B = 16384

_NC = 2
_NS = 16
_NW = _NC * _NS
_BPW = _B // _NW
_RPW = 2 * _BPW
_KCH = 8
_CW = _RPW // _KCH
_NG = _BPW // 16
_NJ = _B // 128
_JPW = _NJ // _NW

_CB = 131072
_GRID = -(-_V // _CB)
_DROWS = _GRID * _CB // 128


def _tc_project(embt_ref, w2_ref, w1_ref, b1_ref, b2_ref, d_ref, gc_ref):
    w2 = w2_ref[...]
    dwr = w2[1:2, :] - w2[0:1, :]
    blk = embt_ref[...]
    s = jnp.dot(dwr, blk, preferred_element_type=jnp.float32)
    d_ref[...] = s.reshape(_CB // 128, 128)

    @pl.when(pl.program_id(0) == 0)
    def _():
        w1 = w1_ref[...]
        b1 = b1_ref[...]
        b2 = b2_ref[...]
        cd = b1[0, 0] * jnp.sum(dwr) + (b2[0, 1] - b2[0, 0])
        gc_ref[0:1, :] = jnp.full((1, 128), w1[0, 0], jnp.float32)
        gc_ref[1:2, :] = jnp.full((1, 128), w1[0, 1], jnp.float32)
        gc_ref[2:3, :] = jnp.full((1, 128), cd, jnp.float32)


def _sc_body(idx_hbm, d16_hbm, g_hbm, out_hbm, idx_v, hi_v, rows_v, g_v, out_v, sem):
    wid = lax.axis_index("s") * _NC + lax.axis_index("c")

    pltpu.sync_copy(idx_hbm.at[pl.ds(wid * _JPW, _JPW)], idx_v)
    pltpu.sync_copy(g_hbm, g_v)

    for j in range(_JPW):
        for c in range(2):
            for t in range(_CW // 16):
                v = idx_v[j, c, pl.ds(t * 16, 16)]
                hi_v[2 * j + c, pl.ds(t * 16, 16)] = lax.shift_right_logical(v, 4)

    copies = [
        pltpu.async_copy(
            d16_hbm.at[hi_v.at[k]], rows_v.at[pl.ds(k * _CW, _CW)], sem
        )
        for k in range(_KCH)
    ]
    for c in copies:
        c.wait()

    iot = lax.iota(jnp.int32, 16)
    zero16 = jnp.zeros((16,), jnp.int32)
    one16 = jnp.ones((16,), jnp.int32)
    w0v = g_v[0, pl.ds(0, 16)]
    w1v = g_v[1, pl.ds(0, 16)]
    cdv = g_v[2, pl.ds(0, 16)]

    def group(g, carry):
        b = g * 16 + iot
        jv = lax.shift_right_logical(b, 7)
        lv = b & 127
        lo0 = plsc.load_gather(idx_v, [jv, zero16, lv]) & 15
        lo1 = plsc.load_gather(idx_v, [jv, one16, lv]) & 15
        r0 = jv * 256 + lv
        r1 = r0 + 128
        v0 = plsc.load_gather(rows_v, [r0, lo0])
        v1 = plsc.load_gather(rows_v, [r1, lo1])
        d = w0v * v0 + w1v * v1 + cdv
        e = jnp.exp(d)
        o0 = 1.0 / (1.0 + e)
        o1 = 1.0 - o0
        plsc.store_scatter(out_v, [jv, zero16, lv], o0)
        plsc.store_scatter(out_v, [jv, one16, lv], o1)
        return carry

    lax.fori_loop(0, _NG, group, 0)

    pltpu.sync_copy(out_v, out_hbm.at[pl.ds(wid * _JPW, _JPW)])


def kernel(input, emb, W1, b1, W2, b2):
    idx3 = jnp.swapaxes(input.astype(jnp.int32).T.reshape(2, _NJ, 128), 0, 1)

    d2, gc = pl.pallas_call(
        _tc_project,
        grid=(_GRID,),
        in_specs=[
            pl.BlockSpec((_H, _CB), lambda i: (0, i)),
            pl.BlockSpec((2, _H), lambda i: (0, 0)),
            pl.BlockSpec((1, 2), lambda i: (0, 0)),
            pl.BlockSpec((1, 1), lambda i: (0, 0)),
            pl.BlockSpec((1, 2), lambda i: (0, 0)),
        ],
        out_specs=[
            pl.BlockSpec((_CB // 128, 128), lambda i: (i, 0)),
            pl.BlockSpec((3, 128), lambda i: (0, 0)),
        ],
        out_shape=[
            jax.ShapeDtypeStruct((_DROWS, 128), jnp.float32),
            jax.ShapeDtypeStruct((3, 128), jnp.float32),
        ],
    )(emb.T, W2, W1, b1.reshape(1, 1), b2.reshape(1, 2))
    d16 = d2.reshape(_DROWS * 8, _H)

    mesh = plsc.VectorSubcoreMesh(
        core_axis_name="c", subcore_axis_name="s", num_cores=_NC, num_subcores=_NS
    )
    run = pl.kernel(
        _sc_body,
        out_type=jax.ShapeDtypeStruct((_NJ, 2, 128), jnp.float32),
        mesh=mesh,
        compiler_params=pltpu.CompilerParams(
            needs_layout_passes=False, use_tc_tiling_on_sc=False
        ),
        scratch_types=[
            pltpu.VMEM((_JPW, 2, 128), jnp.int32),
            pltpu.VMEM((_KCH, _CW), jnp.int32),
            pltpu.VMEM((_RPW, _H), jnp.float32),
            pltpu.VMEM((3, 128), jnp.float32),
            pltpu.VMEM((_JPW, 2, 128), jnp.float32),
            pltpu.SemaphoreType.DMA,
        ],
    )
    out3 = run(idx3, d16, gc)
    return jnp.swapaxes(out3, 0, 1).reshape(2, _B).T

# --- scband reference (transcript-rebuilt; emitter-appended) ---
"""Pipeline reference for scband-skip-gram-model-61624190763350 (READ-ONLY COPY).

The authoritative reference and input builder live on the scoring server;
editing this copy changes nothing except your own understanding.
"""

import jax, jax.numpy as jnp
import numpy as np

V = 1000000
H = 16
B = 16384

def setup_inputs(seed: int = 0) -> dict:
    key = jax.random.key(seed)
    k1, k2, k3, k4, k5 = jax.random.split(key, 5)
    inp = jax.random.randint(k1, (B, 2), 0, V, dtype=jnp.int64 if jax.config.jax_enable_x64 else jnp.int32)
    emb = jax.random.normal(k2, (V, H), dtype=jnp.float32)
    # nn.Linear(2, 1): weight [1, 2], bias [1]
    W1 = jax.random.normal(k3, (1, 2), dtype=jnp.float32) * 0.5
    b1 = jax.random.normal(k4, (1,), dtype=jnp.float32) * 0.1
    # nn.Linear(H, 2): weight [2, H], bias [2]
    W2 = jax.random.normal(k5, (2, H), dtype=jnp.float32) * 0.1
    b2 = jnp.zeros((2,), dtype=jnp.float32)
    return {"input": inp, "emb": emb, "W1": W1, "b1": b1, "W2": W2, "b2": b2}

def reference(input, emb, W1, b1, W2, b2):
    # embedding lookup: [B, 2] -> [B, 2, H]
    x = jnp.take(emb, input, axis=0)
    # transpose(dim0=1, dim1=2): [B, H, 2]
    xt = jnp.transpose(x, (0, 2, 1))
    # linear1: [B, H, 2] @ W1.T -> [B, H, 1], then squeeze -> [B, H]
    y = jnp.einsum('bhc,oc->bho', xt, W1) + b1
    y = jnp.squeeze(y, axis=-1)
    # linear2: [B, H] -> [B, 2]
    z = y @ W2.T + b2
    return jax.nn.softmax(z, axis=-1)

if __name__ == "__main__":
    import jax
    _d = setup_inputs()
    print(jax.jit(kernel)(*tuple(_d.values())))

</pallas_src>

<mosaic_0001>
#map = affine_map<(d0, d1) -> (0, 0, 0)>
#map1 = affine_map<(d0, d1) -> (0, 0)>
module attributes {stable_mosaic.version = 14 : i64} {
  func.func @_sc_body(%arg0: i32, %arg1: i32, %arg2: memref<128x2x128xi32, #tpu.memory_space<hbm>>, %arg3: memref<65536x16xf32, #tpu.memory_space<hbm>>, %arg4: memref<3x128xf32, #tpu.memory_space<hbm>>, %arg5: memref<128x2x128xf32, #tpu.memory_space<hbm>>, %arg6: memref<4x2x128xi32, #tpu.memory_space<vmem>>, %arg7: memref<8x128xi32, #tpu.memory_space<vmem>>, %arg8: memref<1024x16xf32, #tpu.memory_space<vmem>>, %arg9: memref<3x128xf32, #tpu.memory_space<vmem>>, %arg10: memref<4x2x128xf32, #tpu.memory_space<vmem>>, %arg11: memref<!tpu.dma_semaphore, #tpu.memory_space<semaphore_mem>>) attributes {dimension_semantics = [#tpu.dimension_semantics<core_parallel>, #tpu.dimension_semantics<subcore_parallel>], iteration_bounds = array<i64: 2, 16>, scalar_prefetch = 0 : i64, scratch_operands = 6 : i64, tpu.core_type = #tpu.core_type<sc_vector_subcore>, window_params = [{transform_indices = #map}, {transform_indices = #map1}, {transform_indices = #map1}, {transform_indices = #map}]} {
    %mul3A = arith.constant 2 : i32
    %mul3A_0 = arith.muli %arg1, %mul3A : i32
    %add3A = arith.addi %mul3A_0, %arg0 : i32
    %mul3A_1 = arith.constant 4 : i32
    %mul3A_2 = arith.muli %add3A, %mul3A_1 : i32
    "tpu.region"() ({
      %run_scoped3A = tpu.sem_alloc : memref<!tpu.dma_semaphore, #tpu.memory_space<semaphore_mem>>
      %dma_start3A_1012 = arith.constant 0 : i32
      %dma_start3A_1013 = arith.constant 0 : i32
      %dma_start3A_1014 = tpu.memref_slice %arg2[%mul3A_2, %dma_start3A_1012, %dma_start3A_1013] : memref<128x2x128xi32, #tpu.memory_space<hbm>> -> memref<4x2x128xi32, #tpu.memory_space<hbm>>
      %dma_start3A_1015 = arith.constant 0 : i32
      %dma_start3A_1016 = arith.constant 0 : i32
      %dma_start3A_1017 = tpu.memref_slice %arg2[%mul3A_2, %dma_start3A_1015, %dma_start3A_1016] : memref<128x2x128xi32, #tpu.memory_space<hbm>> -> memref<4x2x128xi32, #tpu.memory_space<hbm>>
      tpu.enqueue_dma source(%dma_start3A_1017 : memref<4x2x128xi32, #tpu.memory_space<hbm>>) target(%arg6 : memref<4x2x128xi32, #tpu.memory_space<vmem>>) target_semaphore(%run_scoped3A : memref<!tpu.dma_semaphore, #tpu.memory_space<semaphore_mem>>)
      %dma_wait3A_1018 = arith.constant 0 : i32
      %dma_wait3A_1019 = arith.constant 0 : i32
      %dma_wait3A_1020 = tpu.memref_slice %arg2[%mul3A_2, %dma_wait3A_1018, %dma_wait3A_1019] : memref<128x2x128xi32, #tpu.memory_space<hbm>> -> memref<4x2x128xi32, #tpu.memory_space<hbm>>
      %dma_wait3A_1021 = arith.constant 0 : i32
      %dma_wait3A_1022 = arith.constant 0 : i32
      %dma_wait3A_1023 = tpu.memref_slice %arg2[%mul3A_2, %dma_wait3A_1021, %dma_wait3A_1022] : memref<128x2x128xi32, #tpu.memory_space<hbm>> -> memref<4x2x128xi32, #tpu.memory_space<hbm>>
      tpu.wait_dma2 semaphore(%run_scoped3A : memref<!tpu.dma_semaphore, #tpu.memory_space<semaphore_mem>>) src(%dma_wait3A_1023 : memref<4x2x128xi32, #tpu.memory_space<hbm>>) dst(%arg6 : memref<4x2x128xi32, #tpu.memory_space<vmem>>)
      tpu.yield
    }) : () -> ()
    "tpu.region"() ({
      %run_scoped3A = tpu.sem_alloc : memref<!tpu.dma_semaphore, #tpu.memory_space<semaphore_mem>>
      tpu.enqueue_dma source(%arg4 : memref<3x128xf32, #tpu.memory_space<hbm>>) target(%arg9 : memref<3x128xf32, #tpu.memory_space<vmem>>) target_semaphore(%run_scoped3A : memref<!tpu.dma_semaphore, #tpu.memory_space<semaphore_mem>>)
      tpu.wait_dma2 semaphore(%run_scoped3A : memref<!tpu.dma_semaphore, #tpu.memory_space<semaphore_mem>>) src(%arg4 : memref<3x128xf32, #tpu.memory_space<hbm>>) dst(%arg9 : memref<3x128xf32, #tpu.memory_space<vmem>>)
      tpu.yield
    }) : () -> ()
    %get3A = arith.constant 0 : i32
    %get3A_3 = arith.constant 0 : i32
    %get3A_4 = arith.index_cast %get3A : i32 to index
    %get3A_5 = arith.index_cast %get3A_3 : i32 to index
    %get3A_6 = arith.constant 0 : index
    %get3A_7 = tpu.vector_load %arg6[%get3A_4, %get3A_5, %get3A_6] {strides = array<i32>} : memref<4x2x128xi32, #tpu.memory_space<vmem>>, vector<16xi32>,
    %shift_right_logical3A = arith.constant 4 : i32
    %shift_right_logical3A_8 = vector.broadcast %shift_right_logical3A : i32 to vector<16xi32>
    %shift_right_logical3A_9 = arith.shrui %get3A_7, %shift_right_logical3A_8 : vector<16xi32>
    %swap3A = arith.constant 0 : i32
    %swap3A_10 = arith.index_cast %swap3A : i32 to index
    %swap3A_11 = arith.constant 0 : index
    %swap3A_12 = tpu.vector_load %arg7[%swap3A_10, %swap3A_11] {strides = array<i32>} : memref<8x128xi32, #tpu.memory_space<vmem>>, vector<16xi32>,
    tpu.vector_store %arg7[%swap3A_10, %swap3A_11], %shift_right_logical3A_9 {strides = array<i32>} : memref<8x128xi32, #tpu.memory_space<vmem>>, vector<16xi32>,
    %get3A_13 = arith.constant 0 : i32
    %get3A_14 = arith.constant 0 : i32
    %get3A_15 = arith.index_cast %get3A_13 : i32 to index
    %get3A_16 = arith.index_cast %get3A_14 : i32 to index
    %get3A_17 = arith.constant 16 : index
    %get3A_18 = tpu.vector_load %arg6[%get3A_15, %get3A_16, %get3A_17] {strides = array<i32>} : memref<4x2x128xi32, #tpu.memory_space<vmem>>, vector<16xi32>,
    %shift_right_logical3A_19 = arith.constant 4 : i32
    %shift_right_logical3A_20 = vector.broadcast %shift_right_logical3A_19 : i32 to vector<16xi32>
    %shift_right_logical3A_21 = arith.shrui %get3A_18, %shift_right_logical3A_20 : vector<16xi32>
    %swap3A_22 = arith.constant 0 : i32
    %swap3A_23 = arith.index_cast %swap3A_22 : i32 to index
    %swap3A_24 = arith.constant 16 : index
    %swap3A_25 = tpu.vector_load %arg7[%swap3A_23, %swap3A_24] {strides = array<i32>} : memref<8x128xi32, #tpu.memory_space<vmem>>, vector<16xi32>,
    tpu.vector_store %arg7[%swap3A_23, %swap3A_24], %shift_right_logical3A_21 {strides = array<i32>} : memref<8x128xi32, #tpu.memory_space<vmem>>, vector<16xi32>,
    %get3A_26 = arith.constant 0 : i32
    %get3A_27 = arith.constant 0 : i32
    %get3A_28 = arith.index_cast %get3A_26 : i32 to index
    %get3A_29 = arith.index_cast %get3A_27 : i32 to index
    %get3A_30 = arith.constant 32 : index
    %get3A_31 = tpu.vector_load %arg6[%get3A_28, %get3A_29, %get3A_30] {strides = array<i32>} : memref<4x2x128xi32, #tpu.memory_space<vmem>>, vector<16xi32>,
    %shift_right_logical3A_32 = arith.constant 4 : i32
    %shift_right_logical3A_33 = vector.broadcast %shift_right_logical3A_32 : i32 to vector<16xi32>
    %shift_right_logical3A_34 = arith.shrui %get3A_31, %shift_right_logical3A_33 : vector<16xi32>
    %swap3A_35 = arith.constant 0 : i32
    %swap3A_36 = arith.index_cast %swap3A_35 : i32 to index
    %swap3A_37 = arith.constant 32 : index
    %swap3A_38 = tpu.vector_load %arg7[%swap3A_36, %swap3A_37] {strides = array<i32>} : memref<8x128xi32, #tpu.memory_space<vmem>>, vector<16xi32>,
    tpu.vector_store %arg7[%swap3A_36, %swap3A_37], %shift_right_logical3A_34 {strides = array<i32>} : memref<8x128xi32, #tpu.memory_space<vmem>>, vector<16xi32>,
    %get3A_39 = arith.constant 0 : i32
    %get3A_40 = arith.constant 0 : i32
    %get3A_41 = arith.index_cast %get3A_39 : i32 to index
    %get3A_42 = arith.index_cast %get3A_40 : i32 to index
    %get3A_43 = arith.constant 48 : index
    %get3A_44 = tpu.vector_load %arg6[%get3A_41, %get3A_42, %get3A_43] {strides = array<i32>} : memref<4x2x128xi32, #tpu.memory_space<vmem>>, vector<16xi32>,
    %shift_right_logical3A_45 = arith.constant 4 : i32
    %shift_right_logical3A_46 = vector.broadcast %shift_right_logical3A_45 : i32 to vector<16xi32>
    %shift_right_logical3A_47 = arith.shrui %get3A_44, %shift_right_logical3A_46 : vector<16xi32>
    %swap3A_48 = arith.constant 0 : i32
    %swap3A_49 = arith.index_cast %swap3A_48 : i32 to index
    %swap3A_50 = arith.constant 48 : index
    %swap3A_51 = tpu.vector_load %arg7[%swap3A_49, %swap3A_50] {strides = array<i32>} : memref<8x128xi32, #tpu.memory_space<vmem>>, vector<16xi32>,
    tpu.vector_store %arg7[%swap3A_49, %swap3A_50], %shift_right_logical3A_47 {strides = array<i32>} : memref<8x128xi32, #tpu.memory_space<vmem>>, vector<16xi32>,
    %get3A_52 = arith.constant 0 : i32
    %get3A_53 = arith.constant 0 : i32
    %get3A_54 = arith.index_cast %get3A_52 : i32 to index
    %get3A_55 = arith.index_cast %get3A_53 : i32 to index
    %get3A_56 = arith.constant 64 : index
    %get3A_57 = tpu.vector_load %arg6[%get3A_54, %get3A_55, %get3A_56] {strides = array<i32>} : memref<4x2x128xi32, #tpu.memory_space<vmem>>, vector<16xi32>,
    %shift_right_logical3A_58 = arith.constant 4 : i32
    %shift_right_logical3A_59 = vector.broadcast %shift_right_logical3A_58 : i32 to vector<16xi32>
    %shift_right_logical3A_60 = arith.shrui %get3A_57, %shift_right_logical3A_59 : vector<16xi32>
    %swap3A_61 = arith.constant 0 : i32
    %swap3A_62 = arith.index_cast %swap3A_61 : i32 to index
    %swap3A_63 = arith.constant 64 : index
    %swap3A_64 = tpu.vector_load %arg7[%swap3A_62, %swap3A_63] {strides = array<i32>} : memref<8x128xi32, #tpu.memory_space<vmem>>, vector<16xi32>,
    tpu.vector_store %arg7[%swap3A_62, %swap3A_63], %shift_right_logical3A_60 {strides = array<i32>} : memref<8x128xi32, #tpu.memory_space<vmem>>, vector<16xi32>,
    %get3A_65 = arith.constant 0 : i32
    %get3A_66 = arith.constant 0 : i32
    %get3A_67 = arith.index_cast %get3A_65 : i32 to index
    %get3A_68 = arith.index_cast %get3A_66 : i32 to index
    %get3A_69 = arith.constant 80 : index
    %get3A_70 = tpu.vector_load %arg6[%get3A_67, %get3A_68, %get3A_69] {strides = array<i32>} : memref<4x2x128xi32, #tpu.memory_space<vmem>>, vector<16xi32>,
    %shift_right_logical3A_71 = arith.constant 4 : i32
    %shift_right_logical3A_72 = vector.broadcast %shift_right_logical3A_71 : i32 to vector<16xi32>
    %shift_right_logical3A_73 = arith.shrui %get3A_70, %shift_right_logical3A_72 : vector<16xi32>
    %swap3A_74 = arith.constant 0 : i32
    %swap3A_75 = arith.index_cast %swap3A_74 : i32 to index
    %swap3A_76 = arith.constant 80 : index
    %swap3A_77 = tpu.vector_load %arg7[%swap3A_75, %swap3A_76] {strides = array<i32>} : memref<8x128xi32, #tpu.memory_space<vmem>>, vector<16xi32>,
    tpu.vector_store %arg7[%swap3A_75, %swap3A_76], %shift_right_logical3A_73 {strides = array<i32>} : memref<8x128xi32, #tpu.memory_space<vmem>>, vector<16xi32>,
    %get3A_78 = arith.constant 0 : i32
    %get3A_79 = arith.constant 0 : i32
    %get3A_80 = arith.index_cast %get3A_78 : i32 to index
    %get3A_81 = arith.index_cast %get3A_79 : i32 to index
    %get3A_82 = arith.constant 96 : index
    %get3A_83 = tpu.vector_load %arg6[%get3A_80, %get3A_81, %get3A_82] {strides = array<i32>} : memref<4x2x128xi32, #tpu.memory_space<vmem>>, vector<16xi32>,
    %shift_right_logical3A_84 = arith.constant 4 : i32
    %shift_right_logical3A_85 = vector.broadcast %shift_right_logical3A_84 : i32 to vector<16xi32>
    %shift_right_logical3A_86 = arith.shrui %get3A_83, %shift_right_logical3A_85 : vector<16xi32>
    %swap3A_87 = arith.constant 0 : i32
    %swap3A_88 = arith.index_cast %swap3A_87 : i32 to index
    %swap3A_89 = arith.constant 96 : index
    %swap3A_90 = tpu.vector_load %arg7[%swap3A_88, %swap3A_89] {strides = array<i32>} : memref<8x128xi32, #tpu.memory_space<vmem>>, vector<16xi32>,
    tpu.vector_store %arg7[%swap3A_88, %swap3A_89], %shift_right_logical3A_86 {strides = array<i32>} : memref<8x128xi32, #tpu.memory_space<vmem>>, vector<16xi32>,
    %get3A_91 = arith.constant 0 : i32
    %get3A_92 = arith.constant 0 : i32
    %get3A_93 = arith.index_cast %get3A_91 : i32 to index
    %get3A_94 = arith.index_cast %get3A_92 : i32 to index
    %get3A_95 = arith.constant 112 : index
    %get3A_96 = tpu.vector_load %arg6[%get3A_93, %get3A_94, %get3A_95] {strides = array<i32>} : memref<4x2x128xi32, #tpu.memory_space<vmem>>, vector<16xi32>,
    %shift_right_logical3A_97 = arith.constant 4 : i32
    %shift_right_logical3A_98 = vector.broadcast %shift_right_logical3A_97 : i32 to vector<16xi32>
    %shift_right_logical3A_99 = arith.shrui %get3A_96, %shift_right_logical3A_98 : vector<16xi32>
    %swap3A_100 = arith.constant 0 : i32
    %swap3A_101 = arith.index_cast %swap3A_100 : i32 to index
    %swap3A_102 = arith.constant 112 : index
    %swap3A_103 = tpu.vector_load %arg7[%swap3A_101, %swap3A_102] {strides = array<i32>} : memref<8x128xi32, #tpu.memory_space<vmem>>, vector<16xi32>,
    tpu.vector_store %arg7[%swap3A_101, %swap3A_102], %shift_right_logical3A_99 {strides = array<i32>} : memref<8x128xi32, #tpu.memory_space<vmem>>, vector<16xi32>,
    %get3A_104 = arith.constant 0 : i32
    %get3A_105 = arith.constant 1 : i32
    %get3A_106 = arith.index_cast %get3A_104 : i32 to index
    %get3A_107 = arith.index_cast %get3A_105 : i32 to index
    %get3A_108 = arith.constant 0 : index
    %get3A_109 = tpu.vector_load %arg6[%get3A_106, %get3A_107, %get3A_108] {strides = array<i32>} : memref<4x2x128xi32, #tpu.memory_space<vmem>>, vector<16xi32>,
    %shift_right_logical3A_110 = arith.constant 4 : i32
    %shift_right_logical3A_111 = vector.broadcast %shift_right_logical3A_110 : i32 to vector<16xi32>
    %shift_right_logical3A_112 = arith.shrui %get3A_109, %shift_right_logical3A_111 : vector<16xi32>
    %swap3A_113 = arith.constant 1 : i32
    %swap3A_114 = arith.index_cast %swap3A_113 : i32 to index
    %swap3A_115 = arith.constant 0 : index
    %swap3A_116 = tpu.vector_load %arg7[%swap3A_114, %swap3A_115] {strides = array<i32>} : memref<8x128xi32, #tpu.memory_space<vmem>>, vector<16xi32>,
    tpu.vector_store %arg7[%swap3A_114, %swap3A_115], %shift_right_logical3A_112 {strides = array<i32>} : memref<8x128xi32, #tpu.memory_space<vmem>>, vector<16xi32>,
    %get3A_117 = arith.constant 0 : i32
    %get3A_118 = arith.constant 1 : i32
    %get3A_119 = arith.index_cast %get3A_117 : i32 to index
    %get3A_120 = arith.index_cast %get3A_118 : i32 to index
    %get3A_121 = arith.constant 16 : index
    %get3A_122 = tpu.vector_load %arg6[%get3A_119, %get3A_120, %get3A_121] {strides = array<i32>} : memref<4x2x128xi32, #tpu.memory_space<vmem>>, vector<16xi32>,
    %shift_right_logical3A_123 = arith.constant 4 : i32
    %shift_right_logical3A_124 = vector.broadcast %shift_right_logical3A_123 : i32 to vector<16xi32>
    %shift_right_logical3A_125 = arith.shrui %get3A_122, %shift_right_logical3A_124 : vector<16xi32>
    %swap3A_126 = arith.constant 1 : i32
    %swap3A_127 = arith.index_cast %swap3A_126 : i32 to index
    %swap3A_128 = arith.constant 16 : index
    %swap3A_129 = tpu.vector_load %arg7[%swap3A_127, %swap3A_128] {strides = array<i32>} : memref<8x128xi32, #tpu.memory_space<vmem>>, vector<16xi32>,
    tpu.vector_store %arg7[%swap3A_127, %swap3A_128], %shift_right_logical3A_125 {strides = array<i32>} : memref<8x128xi32, #tpu.memory_space<vmem>>, vector<16xi32>,
    %get3A_130 = arith.constant 0 : i32
    %get3A_131 = arith.constant 1 : i32
    %get3A_132 = arith.index_cast %get3A_130 : i32 to index
    %get3A_133 = arith.index_cast %get3A_131 : i32 to index
    %get3A_134 = arith.constant 32 : index
    %get3A_135 = tpu.vector_load %arg6[%get3A_132, %get3A_133, %get3A_134] {strides = array<i32>} : memref<4x2x128xi32, #tpu.memory_space<vmem>>, vector<16xi32>,
    %shift_right_logical3A_136 = arith.constant 4 : i32
    %shift_right_logical3A_137 = vector.broadcast %shift_right_logical3A_136 : i32 to vector<16xi32>
    %shift_right_logical3A_138 = arith.shrui %get3A_135, %shift_right_logical3A_137 : vector<16xi32>
    %swap3A_139 = arith.constant 1 : i32
    %swap3A_140 = arith.index_cast %swap3A_139 : i32 to index
    %swap3A_141 = arith.constant 32 : index
    %swap3A_142 = tpu.vector_load %arg7[%swap3A_140, %swap3A_141] {strides = array<i32>} : memref<8x128xi32, #tpu.memory_space<vmem>>, vector<16xi32>,
    tpu.vector_store %arg7[%swap3A_140, %swap3A_141], %shift_right_logical3A_138 {strides = array<i32>} : memref<8x128xi32, #tpu.memory_space<vmem>>, vector<16xi32>,
    %get3A_143 = arith.constant 0 : i32
    %get3A_144 = arith.constant 1 : i32
    %get3A_145 = arith.index_cast %get3A_143 : i32 to index
    %get3A_146 = arith.index_cast %get3A_144 : i32 to index
    %get3A_147 = arith.constant 48 : index
    %get3A_148 = tpu.vector_load %arg6[%get3A_145, %get3A_146, %get3A_147] {strides = array<i32>} : memref<4x2x128xi32, #tpu.memory_space<vmem>>, vector<16xi32>,
    %shift_right_logical3A_149 = arith.constant 4 : i32
    %shift_right_logical3A_150 = vector.broadcast %shift_right_logical3A_149 : i32 to vector<16xi32>
    %shift_right_logical3A_151 = arith.shrui %get3A_148, %shift_right_logical3A_150 : vector<16xi32>
    %swap3A_152 = arith.constant 1 : i32
    %swap3A_153 = arith.index_cast %swap3A_152 : i32 to index
    %swap3A_154 = arith.constant 48 : index
    %swap3A_155 = tpu.vector_load %arg7[%swap3A_153, %swap3A_154] {strides = array<i32>} : memref<8x128xi32, #tpu.memory_space<vmem>>, vector<16xi32>,
    tpu.vector_store %arg7[%swap3A_153, %swap3A_154], %shift_right_logical3A_151 {strides = array<i32>} : memref<8x128xi32, #tpu.memory_space<vmem>>, vector<16xi32>,
    %get3A_156 = arith.constant 0 : i32
    %get3A_157 = arith.constant 1 : i32
    %get3A_158 = arith.index_cast %get3A_156 : i32 to index
    %get3A_159 = arith.index_cast %get3A_157 : i32 to index
    %get3A_160 = arith.constant 64 : index
    %get3A_161 = tpu.vector_load %arg6[%get3A_158, %get3A_159, %get3A_160] {strides = array<i32>} : memref<4x2x128xi32, #tpu.memory_space<vmem>>, vector<16xi32>,
    %shift_right_logical3A_162 = arith.constant 4 : i32
    %shift_right_logical3A_163 = vector.broadcast %shift_right_logical3A_162 : i32 to vector<16xi32>
    %shift_right_logical3A_164 = arith.shrui %get3A_161, %shift_right_logical3A_163 : vector<16xi32>
    %swap3A_165 = arith.constant 1 : i32
    %swap3A_166 = arith.index_cast %swap3A_165 : i32 to index
    %swap3A_167 = arith.constant 64 : index
    %swap3A_168 = tpu.vector_load %arg7[%swap3A_166, %swap3A_167] {strides = array<i32>} : memref<8x128xi32, #tpu.memory_space<vmem>>, vector<16xi32>,
    tpu.vector_store %arg7[%swap3A_166, %swap3A_167], %shift_right_logical3A_164 {strides = array<i32>} : memref<8x128xi32, #tpu.memory_space<vmem>>, vector<16xi32>,
    %get3A_169 = arith.constant 0 : i32
    %get3A_170 = arith.constant 1 : i32
    %get3A_171 = arith.index_cast %get3A_169 : i32 to index
    %get3A_172 = arith.index_cast %get3A_170 : i32 to index
    %get3A_173 = arith.constant 80 : index
    %get3A_174 = tpu.vector_load %arg6[%get3A_171, %get3A_172, %get3A_173] {strides = array<i32>} : memref<4x2x128xi32, #tpu.memory_space<vmem>>, vector<16xi32>,
    %shift_right_logical3A_175 = arith.constant 4 : i32
    %shift_right_logical3A_176 = vector.broadcast %shift_right_logical3A_175 : i32 to vector<16xi32>
    %shift_right_logical3A_177 = arith.shrui %get3A_174, %shift_right_logical3A_176 : vector<16xi32>
    %swap3A_178 = arith.constant 1 : i32
    %swap3A_179 = arith.index_cast %swap3A_178 : i32 to index
    %swap3A_180 = arith.constant 80 : index
    %swap3A_181 = tpu.vector_load %arg7[%swap3A_179, %swap3A_180] {strides = array<i32>} : memref<8x128xi32, #tpu.memory_space<vmem>>, vector<16xi32>,
    tpu.vector_store %arg7[%swap3A_179, %swap3A_180], %shift_right_logical3A_177 {strides = array<i32>} : memref<8x128xi32, #tpu.memory_space<vmem>>, vector<16xi32>,
    %get3A_182 = arith.constant 0 : i32
    %get3A_183 = arith.constant 1 : i32
    %get3A_184 = arith.index_cast %get3A_182 : i32 to index
    %get3A_185 = arith.index_cast %get3A_183 : i32 to index
    %get3A_186 = arith.constant 96 : index
    %get3A_187 = tpu.vector_load %arg6[%get3A_184, %get3A_185, %get3A_186] {strides = array<i32>} : memref<4x2x128xi32, #tpu.memory_space<vmem>>, vector<16xi32>,
    %shift_right_logical3A_188 = arith.constant 4 : i32
    %shift_right_logical3A_189 = vector.broadcast %shift_right_logical3A_188 : i32 to vector<16xi32>
    %shift_right_logical3A_190 = arith.shrui %get3A_187, %shift_right_logical3A_189 : vector<16xi32>
    %swap3A_191 = arith.constant 1 : i32
    %swap3A_192 = arith.index_cast %swap3A_191 : i32 to index
    %swap3A_193 = arith.constant 96 : index
    %swap3A_194 = tpu.vector_load %arg7[%swap3A_192, %swap3A_193] {strides = array<i32>} : memref<8x128xi32, #tpu.memory_space<vmem>>, vector<16xi32>,
    tpu.vector_store %arg7[%swap3A_192, %swap3A_193], %shift_right_logical3A_190 {strides = array<i32>} : memref<8x128xi32, #tpu.memory_space<vmem>>, vector<16xi32>,
    %get3A_195 = arith.constant 0 : i32
    %get3A_196 = arith.constant 1 : i32
    %get3A_197 = arith.index_cast %get3A_195 : i32 to index
    %get3A_198 = arith.index_cast %get3A_196 : i32 to index
    %get3A_199 = arith.constant 112 : index
    %get3A_200 = tpu.vector_load %arg6[%get3A_197, %get3A_198, %get3A_199] {strides = array<i32>} : memref<4x2x128xi32, #tpu.memory_space<vmem>>, vector<16xi32>,
    %shift_right_logical3A_201 = arith.constant 4 : i32
    %shift_right_logical3A_202 = vector.broadcast %shift_right_logical3A_201 : i32 to vector<16xi32>
    %shift_right_logical3A_203 = arith.shrui %get3A_200, %shift_right_logical3A_202 : vector<16xi32>
    %swap3A_204 = arith.constant 1 : i32
    %swap3A_205 = arith.index_cast %swap3A_204 : i32 to index
    %swap3A_206 = arith.constant 112 : index
    %swap3A_207 = tpu.vector_load %arg7[%swap3A_205, %swap3A_206] {strides = array<i32>} : memref<8x128xi32, #tpu.memory_space<vmem>>, vector<16xi32>,
    tpu.vector_store %arg7[%swap3A_205, %swap3A_206], %shift_right_logical3A_203 {strides = array<i32>} : memref<8x128xi32, #tpu.memory_space<vmem>>, vector<16xi32>,
    %get3A_208 = arith.constant 1 : i32
    %get3A_209 = arith.constant 0 : i32
    %get3A_210 = arith.index_cast %get3A_208 : i32 to index
    %get3A_211 = arith.index_cast %get3A_209 : i32 to index
    %get3A_212 = arith.constant 0 : index
    %get3A_213 = tpu.vector_load %arg6[%get3A_210, %get3A_211, %get3A_212] {strides = array<i32>} : memref<4x2x128xi32, #tpu.memory_space<vmem>>, vector<16xi32>,
    %shift_right_logical3A_214 = arith.constant 4 : i32
    %shift_right_logical3A_215 = vector.broadcast %shift_right_logical3A_214 : i32 to vector<16xi32>
    %shift_right_logical3A_216 = arith.shrui %get3A_213, %shift_right_logical3A_215 : vector<16xi32>
    %swap3A_217 = arith.constant 2 : i32
    %swap3A_218 = arith.index_cast %swap3A_217 : i32 to index
    %swap3A_219 = arith.constant 0 : index
    %swap3A_220 = tpu.vector_load %arg7[%swap3A_218, %swap3A_219] {strides = array<i32>} : memref<8x128xi32, #tpu.memory_space<vmem>>, vector<16xi32>,
    tpu.vector_store %arg7[%swap3A_218, %swap3A_219], %shift_right_logical3A_216 {strides = array<i32>} : memref<8x128xi32, #tpu.memory_space<vmem>>, vector<16xi32>,
    %get3A_221 = arith.constant 1 : i32
    %get3A_222 = arith.constant 0 : i32
    %get3A_223 = arith.index_cast %get3A_221 : i32 to index
    %get3A_224 = arith.index_cast %get3A_222 : i32 to index
    %get3A_225 = arith.constant 16 : index
    %get3A_226 = tpu.vector_load %arg6[%get3A_223, %get3A_224, %get3A_225] {strides = array<i32>} : memref<4x2x128xi32, #tpu.memory_space<vmem>>, vector<16xi32>,
    %shift_right_logical3A_227 = arith.constant 4 : i32
    %shift_right_logical3A_228 = vector.broadcast %shift_right_logical3A_227 : i32 to vector<16xi32>
    %shift_right_logical3A_229 = arith.shrui %get3A_226, %shift_right_logical3A_228 : vector<16xi32>
    %swap3A_230 = arith.constant 2 : i32
    %swap3A_231 = arith.index_cast %swap3A_230 : i32 to index
    %swap3A_232 = arith.constant 16 : index
    %swap3A_233 = tpu.vector_load %arg7[%swap3A_231, %swap3A_232] {strides = array<i32>} : memref<8x128xi32, #tpu.memory_space<vmem>>, vector<16xi32>,
    tpu.vector_store %arg7[%swap3A_231, %swap3A_232], %shift_right_logical3A_229 {strides = array<i32>} : memref<8x128xi32, #tpu.memory_space<vmem>>, vector<16xi32>,
    %get3A_234 = arith.constant 1 : i32
    %get3A_235 = arith.constant 0 : i32
    %get3A_236 = arith.index_cast %get3A_234 : i32 to index
    %get3A_237 = arith.index_cast %get3A_235 : i32 to index
    %get3A_238 = arith.constant 32 : index
    %get3A_239 = tpu.vector_load %arg6[%get3A_236, %get3A_237, %get3A_238] {strides = array<i32>} : memref<4x2x128xi32, #tpu.memory_space<vmem>>, vector<16xi32>,
    %shift_right_logical3A_240 = arith.constant 4 : i32
    %shift_right_logical3A_241 = vector.broadcast %shift_right_logical3A_240 : i32 to vector<16xi32>
    %shift_right_logical3A_242 = arith.shrui %get3A_239, %shift_right_logical3A_241 : vector<16xi32>
    %swap3A_243 = arith.constant 2 : i32
    %swap3A_244 = arith.index_cast %swap3A_243 : i32 to index
    %swap3A_245 = arith.constant 32 : index
    %swap3A_246 = tpu.vector_load %arg7[%swap3A_244, %swap3A_245] {strides = array<i32>} : memref<8x128xi32, #tpu.memory_space<vmem>>, vector<16xi32>,
    tpu.vector_store %arg7[%swap3A_244, %swap3A_245], %shift_right_logical3A_242 {strides = array<i32>} : memref<8x128xi32, #tpu.memory_space<vmem>>, vector<16xi32>,
    %get3A_247 = arith.constant 1 : i32
    %get3A_248 = arith.constant 0 : i32
    %get3A_249 = arith.index_cast %get3A_247 : i32 to index
    %get3A_250 = arith.index_cast %get3A_248 : i32 to index
    %get3A_251 = arith.constant 48 : index
    %get3A_252 = tpu.vector_load %arg6[%get3A_249, %get3A_250, %get3A_251] {strides = array<i32>} : memref<4x2x128xi32, #tpu.memory_space<vmem>>, vector<16xi32>,
    %shift_right_logical3A_253 = arith.constant 4 : i32
    %shift_right_logical3A_254 = vector.broadcast %shift_right_logical3A_253 : i32 to vector<16xi32>
    %shift_right_logical3A_255 = arith.shrui %get3A_252, %shift_right_logical3A_254 : vector<16xi32>
    %swap3A_256 = arith.constant 2 : i32
    %swap3A_257 = arith.index_cast %swap3A_256 : i32 to index
    %swap3A_258 = arith.constant 48 : index
    %swap3A_259 = tpu.vector_load %arg7[%swap3A_257, %swap3A_258] {strides = array<i32>} : memref<8x128xi32, #tpu.memory_space<vmem>>, vector<16xi32>,
    tpu.vector_store %arg7[%swap3A_257, %swap3A_258], %shift_right_logical3A_255 {strides = array<i32>} : memref<8x128xi32, #tpu.memory_space<vmem>>, vector<16xi32>,
    %get3A_260 = arith.constant 1 : i32
    %get3A_261 = arith.constant 0 : i32
    %get3A_262 = arith.index_cast %get3A_260 : i32 to index
    %get3A_263 = arith.index_cast %get3A_261 : i32 to index
    %get3A_264 = arith.constant 64 : index
    %get3A_265 = tpu.vector_load %arg6[%get3A_262, %get3A_263, %get3A_264] {strides = array<i32>} : memref<4x2x128xi32, #tpu.memory_space<vmem>>, vector<16xi32>,
    %shift_right_logical3A_266 = arith.constant 4 : i32
    %shift_right_logical3A_267 = vector.broadcast %shift_right_logical3A_266 : i32 to vector<16xi32>
    %shift_right_logical3A_268 = arith.shrui %get3A_265, %shift_right_logical3A_267 : vector<16xi32>
    %swap3A_269 = arith.constant 2 : i32
    %swap3A_270 = arith.index_cast %swap3A_269 : i32 to index
    %swap3A_271 = arith.constant 64 : index
    %swap3A_272 = tpu.vector_load %arg7[%swap3A_270, %swap3A_271] {strides = array<i32>} : memref<8x128xi32, #tpu.memory_space<vmem>>, vector<16xi32>,
    tpu.vector_store %arg7[%swap3A_270, %swap3A_271], %shift_right_logical3A_268 {strides = array<i32>} : memref<8x128xi32, #tpu.memory_space<vmem>>, vector<16xi32>,
    %get3A_273 = arith.constant 1 : i32
    %get3A_274 = arith.constant 0 : i32
    %get3A_275 = arith.index_cast %get3A_273 : i32 to index
    %get3A_276 = arith.index_cast %get3A_274 : i32 to index
    %get3A_277 = arith.constant 80 : index
    %get3A_278 = tpu.vector_load %arg6[%get3A_275, %get3A_276, %get3A_277] {strides = array<i32>} : memref<4x2x128xi32, #tpu.memory_space<vmem>>, vector<16xi32>,
    %shift_right_logical3A_279 = arith.constant 4 : i32
    %shift_right_logical3A_280 = vector.broadcast %shift_right_logical3A_279 : i32 to vector<16xi32>
    %shift_right_logical3A_281 = arith.shrui %get3A_278, %shift_right_logical3A_280 : vector<16xi32>
    %swap3A_282 = arith.constant 2 : i32
    %swap3A_283 = arith.index_cast %swap3A_282 : i32 to index
    %swap3A_284 = arith.constant 80 : index
    %swap3A_285 = tpu.vector_load %arg7[%swap3A_283, %swap3A_284] {strides = array<i32>} : memref<8x128xi32, #tpu.memory_space<vmem>>, vector<16xi32>,
    tpu.vector_store %arg7[%swap3A_283, %swap3A_284], %shift_right_logical3A_281 {strides = array<i32>} : memref<8x128xi32, #tpu.memory_space<vmem>>, vector<16xi32>,
    %get3A_286 = arith.constant 1 : i32
    %get3A_287 = arith.constant 0 : i32
    %get3A_288 = arith.index_cast %get3A_286 : i32 to index
    %get3A_289 = arith.index_cast %get3A_287 : i32 to index
    %get3A_290 = arith.constant 96 : index
    %get3A_291 = tpu.vector_load %arg6[%get3A_288, %get3A_289, %get3A_290] {strides = array<i32>} : memref<4x2x128xi32, #tpu.memory_space<vmem>>, vector<16xi32>,
    %shift_right_logical3A_292 = arith.constant 4 : i32
    %shift_right_logical3A_293 = vector.broadcast %shift_right_logical3A_292 : i32 to vector<16xi32>
    %shift_right_logical3A_294 = arith.shrui %get3A_291, %shift_right_logical3A_293 : vector<16xi32>
    %swap3A_295 = arith.constant 2 : i32
    %swap3A_296 = arith.index_cast %swap3A_295 : i32 to index
    %swap3A_297 = arith.constant 96 : index
    %swap3A_298 = tpu.vector_load %arg7[%swap3A_296, %swap3A_297] {strides = array<i32>} : memref<8x128xi32, #tpu.memory_space<vmem>>, vector<16xi32>,
    tpu.vector_store %arg7[%swap3A_296, %swap3A_297], %shift_right_logical3A_294 {strides = array<i32>} : memref<8x128xi32, #tpu.memory_space<vmem>>, vector<16xi32>,
    %get3A_299 = arith.constant 1 : i32
    %get3A_300 = arith.constant 0 : i32
    %get3A_301 = arith.index_cast %get3A_299 : i32 to index
    %get3A_302 = arith.index_cast %get3A_300 : i32 to index
    %get3A_303 = arith.constant 112 : index
    %get3A_304 = tpu.vector_load %arg6[%get3A_301, %get3A_302, %get3A_303] {strides = array<i32>} : memref<4x2x128xi32, #tpu.memory_space<vmem>>, vector<16xi32>,
    %shift_right_logical3A_305 = arith.constant 4 : i32
    %shift_right_logical3A_306 = vector.broadcast %shift_right_logical3A_305 : i32 to vector<16xi32>
    %shift_right_logical3A_307 = arith.shrui %get3A_304, %shift_right_logical3A_306 : vector<16xi32>
    %swap3A_308 = arith.constant 2 : i32
    %swap3A_309 = arith.index_cast %swap3A_308 : i32 to index
    %swap3A_310 = arith.constant 112 : index
    %swap3A_311 = tpu.vector_load %arg7[%swap3A_309, %swap3A_310] {strides = array<i32>} : memref<8x128xi32, #tpu.memory_space<vmem>>, vector<16xi32>,
    tpu.vector_store %arg7[%swap3A_309, %swap3A_310], %shift_right_logical3A_307 {strides = array<i32>} : memref<8x128xi32, #tpu.memory_space<vmem>>, vector<16xi32>,
    %get3A_312 = arith.constant 1 : i32
    %get3A_313 = arith.constant 1 : i32
    %get3A_314 = arith.index_cast %get3A_312 : i32 to index
    %get3A_315 = arith.index_cast %get3A_313 : i32 to index
    %get3A_316 = arith.constant 0 : index
    %get3A_317 = tpu.vector_load %arg6[%get3A_314, %get3A_315, %get3A_316] {strides = array<i32>} : memref<4x2x128xi32, #tpu.memory_space<vmem>>, vector<16xi32>,
    %shift_right_logical3A_318 = arith.constant 4 : i32
    %shift_right_logical3A_319 = vector.broadcast %shift_right_logical3A_318 : i32 to vector<16xi32>
    %shift_right_logical3A_320 = arith.shrui %get3A_317, %shift_right_logical3A_319 : vector<16xi32>
    %swap3A_321 = arith.constant 3 : i32
    %swap3A_322 = arith.index_cast %swap3A_321 : i32 to index
    %swap3A_323 = arith.constant 0 : index
    %swap3A_324 = tpu.vector_load %arg7[%swap3A_322, %swap3A_323] {strides = array<i32>} : memref<8x128xi32, #tpu.memory_space<vmem>>, vector<16xi32>,
    tpu.vector_store %arg7[%swap3A_322, %swap3A_323], %shift_right_logical3A_320 {strides = array<i32>} : memref<8x128xi32, #tpu.memory_space<vmem>>, vector<16xi32>,
    %get3A_325 = arith.constant 1 : i32
    %get3A_326 = arith.constant 1 : i32
    %get3A_327 = arith.index_cast %get3A_325 : i32 to index
    %get3A_328 = arith.index_cast %get3A_326 : i32 to index
    %get3A_329 = arith.constant 16 : index
    %get3A_330 = tpu.vector_load %arg6[%get3A_327, %get3A_328, %get3A_329] {strides = array<i32>} : memref<4x2x128xi32, #tpu.memory_space<vmem>>, vector<16xi32>,
    %shift_right_logical3A_331 = arith.constant 4 : i32
    %shift_right_logical3A_332 = vector.broadcast %shift_right_logical3A_331 : i32 to vector<16xi32>
    %shift_right_logical3A_333 = arith.shrui %get3A_330, %shift_right_logical3A_332 : vector<16xi32>
    %swap3A_334 = arith.constant 3 : i32
    %swap3A_335 = arith.index_cast %swap3A_334 : i32 to index
    %swap3A_336 = arith.constant 16 : index
    %swap3A_337 = tpu.vector_load %arg7[%swap3A_335, %swap3A_336] {strides = array<i32>} : memref<8x128xi32, #tpu.memory_space<vmem>>, vector<16xi32>,
    tpu.vector_store %arg7[%swap3A_335, %swap3A_336], %shift_right_logical3A_333 {strides = array<i32>} : memref<8x128xi32, #tpu.memory_space<vmem>>, vector<16xi32>,
    %get3A_338 = arith.constant 1 : i32
    %get3A_339 = arith.constant 1 : i32
    %get3A_340 = arith.index_cast %get3A_338 : i32 to index
    %get3A_341 = arith.index_cast %get3A_339 : i32 to index
    %get3A_342 = arith.constant 32 : index
    %get3A_343 = tpu.vector_load %arg6[%get3A_340, %get3A_341, %get3A_342] {strides = array<i32>} : memref<4x2x128xi32, #tpu.memory_space<vmem>>, vector<16xi32>,
    %shift_right_logical3A_344 = arith.constant 4 : i32
    %shift_right_logical3A_345 = vector.broadcast %shift_right_logical3A_344 : i32 to vector<16xi32>
    %shift_right_logical3A_346 = arith.shrui %get3A_343, %shift_right_logical3A_345 : vector<16xi32>
    %swap3A_347 = arith.constant 3 : i32
    %swap3A_348 = arith.index_cast %swap3A_347 : i32 to index
    %swap3A_349 = arith.constant 32 : index
    %swap3A_350 = tpu.vector_load %arg7[%swap3A_348, %swap3A_349] {strides = array<i32>} : memref<8x128xi32, #tpu.memory_space<vmem>>, vector<16xi32>,
    tpu.vector_store %arg7[%swap3A_348, %swap3A_349], %shift_right_logical3A_346 {strides = array<i32>} : memref<8x128xi32, #tpu.memory_space<vmem>>, vector<16xi32>,
    %get3A_351 = arith.constant 1 : i32
    %get3A_352 = arith.constant 1 : i32
    %get3A_353 = arith.index_cast %get3A_351 : i32 to index
    %get3A_354 = arith.index_cast %get3A_352 : i32 to index
    %get3A_355 = arith.constant 48 : index
    %get3A_356 = tpu.vector_load %arg6[%get3A_353, %get3A_354, %get3A_355] {strides = array<i32>} : memref<4x2x128xi32, #tpu.memory_space<vmem>>, vector<16xi32>,
    %shift_right_logical3A_357 = arith.constant 4 : i32
    %shift_right_logical3A_358 = vector.broadcast %shift_right_logical3A_357 : i32 to vector<16xi32>
    %shift_right_logical3A_359 = arith.shrui %get3A_356, %shift_right_logical3A_358 : vector<16xi32>
    %swap3A_360 = arith.constant 3 : i32
    %swap3A_361 = arith.index_cast %swap3A_360 : i32 to index
    %swap3A_362 = arith.constant 48 : index
    %swap3A_363 = tpu.vector_load %arg7[%swap3A_361, %swap3A_362] {strides = array<i32>} : memref<8x128xi32, #tpu.memory_space<vmem>>, vector<16xi32>,
    tpu.vector_store %arg7[%swap3A_361, %swap3A_362], %shift_right_logical3A_359 {strides = array<i32>} : memref<8x128xi32, #tpu.memory_space<vmem>>, vector<16xi32>,
    %get3A_364 = arith.constant 1 : i32
    %get3A_365 = arith.constant 1 : i32
    %get3A_366 = arith.index_cast %get3A_364 : i32 to index
    %get3A_367 = arith.index_cast %get3A_365 : i32 to index
    %get3A_368 = arith.constant 64 : index
    %get3A_369 = tpu.vector_load %arg6[%get3A_366, %get3A_367, %get3A_368] {strides = array<i32>} : memref<4x2x128xi32, #tpu.memory_space<vmem>>, vector<16xi32>,
    %shift_right_logical3A_370 = arith.constant 4 : i32
    %shift_right_logical3A_371 = vector.broadcast %shift_right_logical3A_370 : i32 to vector<16xi32>
    %shift_right_logical3A_372 = arith.shrui %get3A_369, %shift_right_logical3A_371 : vector<16xi32>
    %swap3A_373 = arith.constant 3 : i32
    %swap3A_374 = arith.index_cast %swap3A_373 : i32 to index
    %swap3A_375 = arith.constant 64 : index
    %swap3A_376 = tpu.vector_load %arg7[%swap3A_374, %swap3A_375] {strides = array<i32>} : memref<8x128xi32, #tpu.memory_space<vmem>>, vector<16xi32>,
    tpu.vector_store %arg7[%swap3A_374, %swap3A_375], %shift_right_logical3A_372 {strides = array<i32>} : memref<8x128xi32, #tpu.memory_space<vmem>>, vector<16xi32>,
    %get3A_377 = arith.constant 1 : i32
    %get3A_378 = arith.constant 1 : i32
    %get3A_379 = arith.index_cast %get3A_377 : i32 to index
    %get3A_380 = arith.index_cast %get3A_378 : i32 to index
    %get3A_381 = arith.constant 80 : index
    %get3A_382 = tpu.vector_load %arg6[%get3A_379, %get3A_380, %get3A_381] {strides = array<i32>} : memref<4x2x128xi32, #tpu.memory_space<vmem>>, vector<16xi32>,
    %shift_right_logical3A_383 = arith.constant 4 : i32
    %shift_right_logical3A_384 = vector.broadcast %shift_right_logical3A_383 : i32 to vector<16xi32>
    %shift_right_logical3A_385 = arith.shrui %get3A_382, %shift_right_logical3A_384 : vector<16xi32>
    %swap3A_386 = arith.constant 3 : i32
    %swap3A_387 = arith.index_cast %swap3A_386 : i32 to index
    %swap3A_388 = arith.constant 80 : index
    %swap3A_389 = tpu.vector_load %arg7[%swap3A_387, %swap3A_388] {strides = array<i32>} : memref<8x128xi32, #tpu.memory_space<vmem>>, vector<16xi32>,
    tpu.vector_store %arg7[%swap3A_387, %swap3A_388], %shift_right_logical3A_385 {strides = array<i32>} : memref<8x128xi32, #tpu.memory_space<vmem>>, vector<16xi32>,
    %get3A_390 = arith.constant 1 : i32
    %get3A_391 = arith.constant 1 : i32
    %get3A_392 = arith.index_cast %get3A_390 : i32 to index
    %get3A_393 = arith.index_cast %get3A_391 : i32 to index
    %get3A_394 = arith.constant 96 : index
    %get3A_395 = tpu.vector_load %arg6[%get3A_392, %get3A_393, %get3A_394] {strides = array<i32>} : memref<4x2x128xi32, #tpu.memory_space<vmem>>, vector<16xi32>,
    %shift_right_logical3A_396 = arith.constant 4 : i32
    %shift_right_logical3A_397 = vector.broadcast %shift_right_logical3A_396 : i32 to vector<16xi32>
    %shift_right_logical3A_398 = arith.shrui %get3A_395, %shift_right_logical3A_397 : vector<16xi32>
    %swap3A_399 = arith.constant 3 : i32
    %swap3A_400 = arith.index_cast %swap3A_399 : i32 to index
    %swap3A_401 = arith.constant 96 : index
    %swap3A_402 = tpu.vector_load %arg7[%swap3A_400, %swap3A_401] {strides = array<i32>} : memref<8x128xi32, #tpu.memory_space<vmem>>, vector<16xi32>,
    tpu.vector_store %arg7[%swap3A_400, %swap3A_401], %shift_right_logical3A_398 {strides = array<i32>} : memref<8x128xi32, #tpu.memory_space<vmem>>, vector<16xi32>,
    %get3A_403 = arith.constant 1 : i32
    %get3A_404 = arith.constant 1 : i32
    %get3A_405 = arith.index_cast %get3A_403 : i32 to index
    %get3A_406 = arith.index_cast %get3A_404 : i32 to index
    %get3A_407 = arith.constant 112 : index
    %get3A_408 = tpu.vector_load %arg6[%get3A_405, %get3A_406, %get3A_407] {strides = array<i32>} : memref<4x2x128xi32, #tpu.memory_space<vmem>>, vector<16xi32>,
    %shift_right_logical3A_409 = arith.constant 4 : i32
    %shift_right_logical3A_410 = vector.broadcast %shift_right_logical3A_409 : i32 to vector<16xi32>
    %shift_right_logical3A_411 = arith.shrui %get3A_408, %shift_right_logical3A_410 : vector<16xi32>
    %swap3A_412 = arith.constant 3 : i32
    %swap3A_413 = arith.index_cast %swap3A_412 : i32 to index
    %swap3A_414 = arith.constant 112 : index
    %swap3A_415 = tpu.vector_load %arg7[%swap3A_413, %swap3A_414] {strides = array<i32>} : memref<8x128xi32, #tpu.memory_space<vmem>>, vector<16xi32>,
    tpu.vector_store %arg7[%swap3A_413, %swap3A_414], %shift_right_logical3A_411 {strides = array<i32>} : memref<8x128xi32, #tpu.memory_space<vmem>>, vector<16xi32>,
    %get3A_416 = arith.constant 2 : i32
    %get3A_417 = arith.constant 0 : i32
    %get3A_418 = arith.index_cast %get3A_416 : i32 to index
    %get3A_419 = arith.index_cast %get3A_417 : i32 to index
    %get3A_420 = arith.constant 0 : index
    %get3A_421 = tpu.vector_load %arg6[%get3A_418, %get3A_419, %get3A_420] {strides = array<i32>} : memref<4x2x128xi32, #tpu.memory_space<vmem>>, vector<16xi32>,
    %shift_right_logical3A_422 = arith.constant 4 : i32
    %shift_right_logical3A_423 = vector.broadcast %shift_right_logical3A_422 : i32 to vector<16xi32>
    %shift_right_logical3A_424 = arith.shrui %get3A_421, %shift_right_logical3A_423 : vector<16xi32>
    %swap3A_425 = arith.constant 4 : i32
    %swap3A_426 = arith.index_cast %swap3A_425 : i32 to index
    %swap3A_427 = arith.constant 0 : index
    %swap3A_428 = tpu.vector_load %arg7[%swap3A_426, %swap3A_427] {strides = array<i32>} : memref<8x128xi32, #tpu.memory_space<vmem>>, vector<16xi32>,
    tpu.vector_store %arg7[%swap3A_426, %swap3A_427], %shift_right_logical3A_424 {strides = array<i32>} : memref<8x128xi32, #tpu.memory_space<vmem>>, vector<16xi32>,
    %get3A_429 = arith.constant 2 : i32
    %get3A_430 = arith.constant 0 : i32
    %get3A_431 = arith.index_cast %get3A_429 : i32 to index
    %get3A_432 = arith.index_cast %get3A_430 : i32 to index
    %get3A_433 = arith.constant 16 : index
    %get3A_434 = tpu.vector_load %arg6[%get3A_431, %get3A_432, %get3A_433] {strides = array<i32>} : memref<4x2x128xi32, #tpu.memory_space<vmem>>, vector<16xi32>,
    %shift_right_logical3A_435 = arith.constant 4 : i32
    %shift_right_logical3A_436 = vector.broadcast %shift_right_logical3A_435 : i32 to vector<16xi32>
    %shift_right_logical3A_437 = arith.shrui %get3A_434, %shift_right_logical3A_436 : vector<16xi32>
    %swap3A_438 = arith.constant 4 : i32
    %swap3A_439 = arith.index_cast %swap3A_438 : i32 to index
    %swap3A_440 = arith.constant 16 : index
    %swap3A_441 = tpu.vector_load %arg7[%swap3A_439, %swap3A_440] {strides = array<i32>} : memref<8x128xi32, #tpu.memory_space<vmem>>, vector<16xi32>,
    tpu.vector_store %arg7[%swap3A_439, %swap3A_440], %shift_right_logical3A_437 {strides = array<i32>} : memref<8x128xi32, #tpu.memory_space<vmem>>, vector<16xi32>,
    %get3A_442 = arith.constant 2 : i32
    %get3A_443 = arith.constant 0 : i32
    %get3A_444 = arith.index_cast %get3A_442 : i32 to index
    %get3A_445 = arith.index_cast %get3A_443 : i32 to index
    %get3A_446 = arith.constant 32 : index
    %get3A_447 = tpu.vector_load %arg6[%get3A_444, %get3A_445, %get3A_446] {strides = array<i32>} : memref<4x2x128xi32, #tpu.memory_space<vmem>>, vector<16xi32>,
    %shift_right_logical3A_448 = arith.constant 4 : i32
    %shift_right_logical3A_449 = vector.broadcast %shift_right_logical3A_448 : i32 to vector<16xi32>
    %shift_right_logical3A_450 = arith.shrui %get3A_447, %shift_right_logical3A_449 : vector<16xi32>
    %swap3A_451 = arith.constant 4 : i32
    %swap3A_452 = arith.index_cast %swap3A_451 : i32 to index
    %swap3A_453 = arith.constant 32 : index
    %swap3A_454 = tpu.vector_load %arg7[%swap3A_452, %swap3A_453] {strides = array<i32>} : memref<8x128xi32, #tpu.memory_space<vmem>>, vector<16xi32>,
    tpu.vector_store %arg7[%swap3A_452, %swap3A_453], %shift_right_logical3A_450 {strides = array<i32>} : memref<8x128xi32, #tpu.memory_space<vmem>>, vector<16xi32>,
    %get3A_455 = arith.constant 2 : i32
    %get3A_456 = arith.constant 0 : i32
    %get3A_457 = arith.index_cast %get3A_455 : i32 to index
    %get3A_458 = arith.index_cast %get3A_456 : i32 to index
    %get3A_459 = arith.constant 48 : index
    %get3A_460 = tpu.vector_load %arg6[%get3A_457, %get3A_458, %get3A_459] {strides = array<i32>} : memref<4x2x128xi32, #tpu.memory_space<vmem>>, vector<16xi32>,
    %shift_right_logical3A_461 = arith.constant 4 : i32
    %shift_right_logical3A_462 = vector.broadcast %shift_right_logical3A_461 : i32 to vector<16xi32>
    %shift_right_logical3A_463 = arith.shrui %get3A_460, %shift_right_logical3A_462 : vector<16xi32>
    %swap3A_464 = arith.constant 4 : i32
    %swap3A_465 = arith.index_cast %swap3A_464 : i32 to index
    %swap3A_466 = arith.constant 48 : index
    %swap3A_467 = tpu.vector_load %arg7[%swap3A_465, %swap3A_466] {strides = array<i32>} : memref<8x128xi32, #tpu.memory_space<vmem>>, vector<16xi32>,
    tpu.vector_store %arg7[%swap3A_465, %swap3A_466], %shift_right_logical3A_463 {strides = array<i32>} : memref<8x128xi32, #tpu.memory_space<vmem>>, vector<16xi32>,
    %get3A_468 = arith.constant 2 : i32
    %get3A_469 = arith.constant 0 : i32
    %get3A_470 = arith.index_cast %get3A_468 : i32 to index
    %get3A_471 = arith.index_cast %get3A_469 : i32 to index
    %get3A_472 = arith.constant 64 : index
    %get3A_473 = tpu.vector_load %arg6[%get3A_470, %get3A_471, %get3A_472] {strides = array<i32>} : memref<4x2x128xi32, #tpu.memory_space<vmem>>, vector<16xi32>,
    %shift_right_logical3A_474 = arith.constant 4 : i32
    %shift_right_logical3A_475 = vector.broadcast %shift_right_logical3A_474 : i32 to vector<16xi32>
    %shift_right_logical3A_476 = arith.shrui %get3A_473, %shift_right_logical3A_475 : vector<16xi32>
    %swap3A_477 = arith.constant 4 : i32
    %swap3A_478 = arith.index_cast %swap3A_477 : i32 to index
    %swap3A_479 = arith.constant 64 : index
    %swap3A_480 = tpu.vector_load %arg7[%swap3A_478, %swap3A_479] {strides = array<i32>} : memref<8x128xi32, #tpu.memory_space<vmem>>, vector<16xi32>,
    tpu.vector_store %arg7[%swap3A_478, %swap3A_479], %shift_right_logical3A_476 {strides = array<i32>} : memref<8x128xi32, #tpu.memory_space<vmem>>, vector<16xi32>,
    %get3A_481 = arith.constant 2 : i32
    %get3A_482 = arith.constant 0 : i32
    %get3A_483 = arith.index_cast %get3A_481 : i32 to index
    %get3A_484 = arith.index_cast %get3A_482 : i32 to index
    %get3A_485 = arith.constant 80 : index
    %get3A_486 = tpu.vector_load %arg6[%get3A_483, %get3A_484, %get3A_485] {strides = array<i32>} : memref<4x2x128xi32, #tpu.memory_space<vmem>>, vector<16xi32>,
    %shift_right_logical3A_487 = arith.constant 4 : i32
    %shift_right_logical3A_488 = vector.broadcast %shift_right_logical3A_487 : i32 to vector<16xi32>
    %shift_right_logical3A_489 = arith.shrui %get3A_486, %shift_right_logical3A_488 : vector<16xi32>
    %swap3A_490 = arith.constant 4 : i32
    %swap3A_491 = arith.index_cast %swap3A_490 : i32 to index
    %swap3A_492 = arith.constant 80 : index
    %swap3A_493 = tpu.vector_load %arg7[%swap3A_491, %swap3A_492] {strides = array<i32>} : memref<8x128xi32, #tpu.memory_space<vmem>>, vector<16xi32>,
    tpu.vector_store %arg7[%swap3A_491, %swap3A_492], %shift_right_logical3A_489 {strides = array<i32>} : memref<8x128xi32, #tpu.memory_space<vmem>>, vector<16xi32>,
    %get3A_494 = arith.constant 2 : i32
    %get3A_495 = arith.constant 0 : i32
    %get3A_496 = arith.index_cast %get3A_494 : i32 to index
    %get3A_497 = arith.index_cast %get3A_495 : i32 to index
    %get3A_498 = arith.constant 96 : index
    %get3A_499 = tpu.vector_load %arg6[%get3A_496, %get3A_497, %get3A_498] {strides = array<i32>} : memref<4x2x128xi32, #tpu.memory_space<vmem>>, vector<16xi32>,
    %shift_right_logical3A_500 = arith.constant 4 : i32
    %shift_right_logical3A_501 = vector.broadcast %shift_right_logical3A_500 : i32 to vector<16xi32>
    %shift_right_logical3A_502 = arith.shrui %get3A_499, %shift_right_logical3A_501 : vector<16xi32>
    %swap3A_503 = arith.constant 4 : i32
    %swap3A_504 = arith.index_cast %swap3A_503 : i32 to index
    %swap3A_505 = arith.constant 96 : index
    %swap3A_506 = tpu.vector_load %arg7[%swap3A_504, %swap3A_505] {strides = array<i32>} : memref<8x128xi32, #tpu.memory_space<vmem>>, vector<16xi32>,
    tpu.vector_store %arg7[%swap3A_504, %swap3A_505], %shift_right_logical3A_502 {strides = array<i32>} : memref<8x128xi32, #tpu.memory_space<vmem>>, vector<16xi32>,
    %get3A_507 = arith.constant 2 : i32
    %get3A_508 = arith.constant 0 : i32
    %get3A_509 = arith.index_cast %get3A_507 : i32 to index
    %get3A_510 = arith.index_cast %get3A_508 : i32 to index
    %get3A_511 = arith.constant 112 : index
    %get3A_512 = tpu.vector_load %arg6[%get3A_509, %get3A_510, %get3A_511] {strides = array<i32>} : memref<4x2x128xi32, #tpu.memory_space<vmem>>, vector<16xi32>,
    %shift_right_logical3A_513 = arith.constant 4 : i32
    %shift_right_logical3A_514 = vector.broadcast %shift_right_logical3A_513 : i32 to vector<16xi32>
    %shift_right_logical3A_515 = arith.shrui %get3A_512, %shift_right_logical3A_514 : vector<16xi32>
    %swap3A_516 = arith.constant 4 : i32
    %swap3A_517 = arith.index_cast %swap3A_516 : i32 to index
    %swap3A_518 = arith.constant 112 : index
    %swap3A_519 = tpu.vector_load %arg7[%swap3A_517, %swap3A_518] {strides = array<i32>} : memref<8x128xi32, #tpu.memory_space<vmem>>, vector<16xi32>,
    tpu.vector_store %arg7[%swap3A_517, %swap3A_518], %shift_right_logical3A_515 {strides = array<i32>} : memref<8x128xi32, #tpu.memory_space<vmem>>, vector<16xi32>,
    %get3A_520 = arith.constant 2 : i32
    %get3A_521 = arith.constant 1 : i32
    %get3A_522 = arith.index_cast %get3A_520 : i32 to index
    %get3A_523 = arith.index_cast %get3A_521 : i32 to index
    %get3A_524 = arith.constant 0 : index
    %get3A_525 = tpu.vector_load %arg6[%get3A_522, %get3A_523, %get3A_524] {strides = array<i32>} : memref<4x2x128xi32, #tpu.memory_space<vmem>>, vector<16xi32>,
    %shift_right_logical3A_526 = arith.constant 4 : i32
    %shift_right_logical3A_527 = vector.broadcast %shift_right_logical3A_526 : i32 to vector<16xi32>
    %shift_right_logical3A_528 = arith.shrui %get3A_525, %shift_right_logical3A_527 : vector<16xi32>
    %swap3A_529 = arith.constant 5 : i32
    %swap3A_530 = arith.index_cast %swap3A_529 : i32 to index
    %swap3A_531 = arith.constant 0 : index
    %swap3A_532 = tpu.vector_load %arg7[%swap3A_530, %swap3A_531] {strides = array<i32>} : memref<8x128xi32, #tpu.memory_space<vmem>>, vector<16xi32>,
    tpu.vector_store %arg7[%swap3A_530, %swap3A_531], %shift_right_logical3A_528 {strides = array<i32>} : memref<8x128xi32, #tpu.memory_space<vmem>>, vector<16xi32>,
    %get3A_533 = arith.constant 2 : i32
    %get3A_534 = arith.constant 1 : i32
    %get3A_535 = arith.index_cast %get3A_533 : i32 to index
    %get3A_536 = arith.index_cast %get3A_534 : i32 to index
    %get3A_537 = arith.constant 16 : index
    %get3A_538 = tpu.vector_load %arg6[%get3A_535, %get3A_536, %get3A_537] {strides = array<i32>} : memref<4x2x128xi32, #tpu.memory_space<vmem>>, vector<16xi32>,
    %shift_right_logical3A_539 = arith.constant 4 : i32
    %shift_right_logical3A_540 = vector.broadcast %shift_right_logical3A_539 : i32 to vector<16xi32>
    %shift_right_logical3A_541 = arith.shrui %get3A_538, %shift_right_logical3A_540 : vector<16xi32>
    %swap3A_542 = arith.constant 5 : i32
    %swap3A_543 = arith.index_cast %swap3A_542 : i32 to index
    %swap3A_544 = arith.constant 16 : index
    %swap3A_545 = tpu.vector_load %arg7[%swap3A_543, %swap3A_544] {strides = array<i32>} : memref<8x128xi32, #tpu.memory_space<vmem>>, vector<16xi32>,
    tpu.vector_store %arg7[%swap3A_543, %swap3A_544], %shift_right_logical3A_541 {strides = array<i32>} : memref<8x128xi32, #tpu.memory_space<vmem>>, vector<16xi32>,
    %get3A_546 = arith.constant 2 : i32
    %get3A_547 = arith.constant 1 : i32
    %get3A_548 = arith.index_cast %get3A_546 : i32 to index
    %get3A_549 = arith.index_cast %get3A_547 : i32 to index
    %get3A_550 = arith.constant 32 : index
    %get3A_551 = tpu.vector_load %arg6[%get3A_548, %get3A_549, %get3A_550] {strides = array<i32>} : memref<4x2x128xi32, #tpu.memory_space<vmem>>, vector<16xi32>,
    %shift_right_logical3A_552 = arith.constant 4 : i32
    %shift_right_logical3A_553 = vector.broadcast %shift_right_logical3A_552 : i32 to vector<16xi32>
    %shift_right_logical3A_554 = arith.shrui %get3A_551, %shift_right_logical3A_553 : vector<16xi32>
    %swap3A_555 = arith.constant 5 : i32
    %swap3A_556 = arith.index_cast %swap3A_555 : i32 to index
    %swap3A_557 = arith.constant 32 : index
    %swap3A_558 = tpu.vector_load %arg7[%swap3A_556, %swap3A_557] {strides = array<i32>} : memref<8x128xi32, #tpu.memory_space<vmem>>, vector<16xi32>,
    tpu.vector_store %arg7[%swap3A_556, %swap3A_557], %shift_right_logical3A_554 {strides = array<i32>} : memref<8x128xi32, #tpu.memory_space<vmem>>, vector<16xi32>,
    %get3A_559 = arith.constant 2 : i32
    %get3A_560 = arith.constant 1 : i32
    %get3A_561 = arith.index_cast %get3A_559 : i32 to index
    %get3A_562 = arith.index_cast %get3A_560 : i32 to index
    %get3A_563 = arith.constant 48 : index
    %get3A_564 = tpu.vector_load %arg6[%get3A_561, %get3A_562, %get3A_563] {strides = array<i32>} : memref<4x2x128xi32, #tpu.memory_space<vmem>>, vector<16xi32>,
    %shift_right_logical3A_565 = arith.constant 4 : i32
    %shift_right_logical3A_566 = vector.broadcast %shift_right_logical3A_565 : i32 to vector<16xi32>
    %shift_right_logical3A_567 = arith.shrui %get3A_564, %shift_right_logical3A_566 : vector<16xi32>
    %swap3A_568 = arith.constant 5 : i32
    %swap3A_569 = arith.index_cast %swap3A_568 : i32 to index
    %swap3A_570 = arith.constant 48 : index
    %swap3A_571 = tpu.vector_load %arg7[%swap3A_569, %swap3A_570] {strides = array<i32>} : memref<8x128xi32, #tpu.memory_space<vmem>>, vector<16xi32>,
    tpu.vector_store %arg7[%swap3A_569, %swap3A_570], %shift_right_logical3A_567 {strides = array<i32>} : memref<8x128xi32, #tpu.memory_space<vmem>>, vector<16xi32>,
    %get3A_572 = arith.constant 2 : i32
    %get3A_573 = arith.constant 1 : i32
    %get3A_574 = arith.index_cast %get3A_572 : i32 to index
    %get3A_575 = arith.index_cast %get3A_573 : i32 to index
    %get3A_576 = arith.constant 64 : index
    %get3A_577 = tpu.vector_load %arg6[%get3A_574, %get3A_575, %get3A_576] {strides = array<i32>} : memref<4x2x128xi32, #tpu.memory_space<vmem>>, vector<16xi32>,
    %shift_right_logical3A_578 = arith.constant 4 : i32
    %shift_right_logical3A_579 = vector.broadcast %shift_right_logical3A_578 : i32 to vector<16xi32>
    %shift_right_logical3A_580 = arith.shrui %get3A_577, %shift_right_logical3A_579 : vector<16xi32>
    %swap3A_581 = arith.constant 5 : i32
    %swap3A_582 = arith.index_cast %swap3A_581 : i32 to index
    %swap3A_583 = arith.constant 64 : index
    %swap3A_584 = tpu.vector_load %arg7[%swap3A_582, %swap3A_583] {strides = array<i32>} : memref<8x128xi32, #tpu.memory_space<vmem>>, vector<16xi32>,
    tpu.vector_store %arg7[%swap3A_582, %swap3A_583], %shift_right_logical3A_580 {strides = array<i32>} : memref<8x128xi32, #tpu.memory_space<vmem>>, vector<16xi32>,
    %get3A_585 = arith.constant 2 : i32
    %get3A_586 = arith.constant 1 : i32
    %get3A_587 = arith.index_cast %get3A_585 : i32 to index
    %get3A_588 = arith.index_cast %get3A_586 : i32 to index
    %get3A_589 = arith.constant 80 : index
    %get3A_590 = tpu.vector_load %arg6[%get3A_587, %get3A_588, %get3A_589] {strides = array<i32>} : memref<4x2x128xi32, #tpu.memory_space<vmem>>, vector<16xi32>,
    %shift_right_logical3A_591 = arith.constant 4 : i32
    %shift_right_logical3A_592 = vector.broadcast %shift_right_logical3A_591 : i32 to vector<16xi32>
    %shift_right_logical3A_593 = arith.shrui %get3A_590, %shift_right_logical3A_592 : vector<16xi32>
    %swap3A_594 = arith.constant 5 : i32
    %swap3A_595 = arith.index_cast %swap3A_594 : i32 to index
    %swap3A_596 = arith.constant 80 : index
    %swap3A_597 = tpu.vector_load %arg7[%swap3A_595, %swap3A_596] {strides = array<i32>} : memref<8x128xi32, #tpu.memory_space<vmem>>, vector<16xi32>,
    tpu.vector_store %arg7[%swap3A_595, %swap3A_596], %shift_right_logical3A_593 {strides = array<i32>} : memref<8x128xi32, #tpu.memory_space<vmem>>, vector<16xi32>,
    %get3A_598 = arith.constant 2 : i32
    %get3A_599 = arith.constant 1 : i32
    %get3A_600 = arith.index_cast %get3A_598 : i32 to index
    %get3A_601 = arith.index_cast %get3A_599 : i32 to index
    %get3A_602 = arith.constant 96 : index
    %get3A_603 = tpu.vector_load %arg6[%get3A_600, %get3A_601, %get3A_602] {strides = array<i32>} : memref<4x2x128xi32, #tpu.memory_space<vmem>>, vector<16xi32>,
    %shift_right_logical3A_604 = arith.constant 4 : i32
    %shift_right_logical3A_605 = vector.broadcast %shift_right_logical3A_604 : i32 to vector<16xi32>
    %shift_right_logical3A_606 = arith.shrui %get3A_603, %shift_right_logical3A_605 : vector<16xi32>
    %swap3A_607 = arith.constant 5 : i32
    %swap3A_608 = arith.index_cast %swap3A_607 : i32 to index
    %swap3A_609 = arith.constant 96 : index
    %swap3A_610 = tpu.vector_load %arg7[%swap3A_608, %swap3A_609] {strides = array<i32>} : memref<8x128xi32, #tpu.memory_space<vmem>>, vector<16xi32>,
    tpu.vector_store %arg7[%swap3A_608, %swap3A_609], %shift_right_logical3A_606 {strides = array<i32>} : memref<8x128xi32, #tpu.memory_space<vmem>>, vector<16xi32>,
    %get3A_611 = arith.constant 2 : i32
    %get3A_612 = arith.constant 1 : i32
    %get3A_613 = arith.index_cast %get3A_611 : i32 to index
    %get3A_614 = arith.index_cast %get3A_612 : i32 to index
    %get3A_615 = arith.constant 112 : index
    %get3A_616 = tpu.vector_load %arg6[%get3A_613, %get3A_614, %get3A_615] {strides = array<i32>} : memref<4x2x128xi32, #tpu.memory_space<vmem>>, vector<16xi32>,
    %shift_right_logical3A_617 = arith.constant 4 : i32
    %shift_right_logical3A_618 = vector.broadcast %shift_right_logical3A_617 : i32 to vector<16xi32>
    %shift_right_logical3A_619 = arith.shrui %get3A_616, %shift_right_logical3A_618 : vector<16xi32>
    %swap3A_620 = arith.constant 5 : i32
    %swap3A_621 = arith.index_cast %swap3A_620 : i32 to index
    %swap3A_622 = arith.constant 112 : index
    %swap3A_623 = tpu.vector_load %arg7[%swap3A_621, %swap3A_622] {strides = array<i32>} : memref<8x128xi32, #tpu.memory_space<vmem>>, vector<16xi32>,
    tpu.vector_store %arg7[%swap3A_621, %swap3A_622], %shift_right_logical3A_619 {strides = array<i32>} : memref<8x128xi32, #tpu.memory_space<vmem>>, vector<16xi32>,
    %get3A_624 = arith.constant 3 : i32
    %get3A_625 = arith.constant 0 : i32
    %get3A_626 = arith.index_cast %get3A_624 : i32 to index
    %get3A_627 = arith.index_cast %get3A_625 : i32 to index
    %get3A_628 = arith.constant 0 : index
    %get3A_629 = tpu.vector_load %arg6[%get3A_626, %get3A_627, %get3A_628] {strides = array<i32>} : memref<4x2x128xi32, #tpu.memory_space<vmem>>, vector<16xi32>,
    %shift_right_logical3A_630 = arith.constant 4 : i32
    %shift_right_logical3A_631 = vector.broadcast %shift_right_logical3A_630 : i32 to vector<16xi32>
    %shift_right_logical3A_632 = arith.shrui %get3A_629, %shift_right_logical3A_631 : vector<16xi32>
    %swap3A_633 = arith.constant 6 : i32
    %swap3A_634 = arith.index_cast %swap3A_633 : i32 to index
    %swap3A_635 = arith.constant 0 : index
    %swap3A_636 = tpu.vector_load %arg7[%swap3A_634, %swap3A_635] {strides = array<i32>} : memref<8x128xi32, #tpu.memory_space<vmem>>, vector<16xi32>,
    tpu.vector_store %arg7[%swap3A_634, %swap3A_635], %shift_right_logical3A_632 {strides = array<i32>} : memref<8x128xi32, #tpu.memory_space<vmem>>, vector<16xi32>,
    %get3A_637 = arith.constant 3 : i32
    %get3A_638 = arith.constant 0 : i32
    %get3A_639 = arith.index_cast %get3A_637 : i32 to index
    %get3A_640 = arith.index_cast %get3A_638 : i32 to index
    %get3A_641 = arith.constant 16 : index
    %get3A_642 = tpu.vector_load %arg6[%get3A_639, %get3A_640, %get3A_641] {strides = array<i32>} : memref<4x2x128xi32, #tpu.memory_space<vmem>>, vector<16xi32>,
    %shift_right_logical3A_643 = arith.constant 4 : i32
    %shift_right_logical3A_644 = vector.broadcast %shift_right_logical3A_643 : i32 to vector<16xi32>
    %shift_right_logical3A_645 = arith.shrui %get3A_642, %shift_right_logical3A_644 : vector<16xi32>
    %swap3A_646 = arith.constant 6 : i32
    %swap3A_647 = arith.index_cast %swap3A_646 : i32 to index
    %swap3A_648 = arith.constant 16 : index
    %swap3A_649 = tpu.vector_load %arg7[%swap3A_647, %swap3A_648] {strides = array<i32>} : memref<8x128xi32, #tpu.memory_space<vmem>>, vector<16xi32>,
    tpu.vector_store %arg7[%swap3A_647, %swap3A_648], %shift_right_logical3A_645 {strides = array<i32>} : memref<8x128xi32, #tpu.memory_space<vmem>>, vector<16xi32>,
    %get3A_650 = arith.constant 3 : i32
    %get3A_651 = arith.constant 0 : i32
    %get3A_652 = arith.index_cast %get3A_650 : i32 to index
    %get3A_653 = arith.index_cast %get3A_651 : i32 to index
    %get3A_654 = arith.constant 32 : index
    %get3A_655 = tpu.vector_load %arg6[%get3A_652, %get3A_653, %get3A_654] {strides = array<i32>} : memref<4x2x128xi32, #tpu.memory_space<vmem>>, vector<16xi32>,
    %shift_right_logical3A_656 = arith.constant 4 : i32
    %shift_right_logical3A_657 = vector.broadcast %shift_right_logical3A_656 : i32 to vector<16xi32>
    %shift_right_logical3A_658 = arith.shrui %get3A_655, %shift_right_logical3A_657 : vector<16xi32>
    %swap3A_659 = arith.constant 6 : i32
    %swap3A_660 = arith.index_cast %swap3A_659 : i32 to index
    %swap3A_661 = arith.constant 32 : index
    %swap3A_662 = tpu.vector_load %arg7[%swap3A_660, %swap3A_661] {strides = array<i32>} : memref<8x128xi32, #tpu.memory_space<vmem>>, vector<16xi32>,
    tpu.vector_store %arg7[%swap3A_660, %swap3A_661], %shift_right_logical3A_658 {strides = array<i32>} : memref<8x128xi32, #tpu.memory_space<vmem>>, vector<16xi32>,
    %get3A_663 = arith.constant 3 : i32
    %get3A_664 = arith.constant 0 : i32
    %get3A_665 = arith.index_cast %get3A_663 : i32 to index
    %get3A_666 = arith.index_cast %get3A_664 : i32 to index
    %get3A_667 = arith.constant 48 : index
    %get3A_668 = tpu.vector_load %arg6[%get3A_665, %get3A_666, %get3A_667] {strides = array<i32>} : memref<4x2x128xi32, #tpu.memory_space<vmem>>, vector<16xi32>,
    %shift_right_logical3A_669 = arith.constant 4 : i32
    %shift_right_logical3A_670 = vector.broadcast %shift_right_logical3A_669 : i32 to vector<16xi32>
    %shift_right_logical3A_671 = arith.shrui %get3A_668, %shift_right_logical3A_670 : vector<16xi32>
    %swap3A_672 = arith.constant 6 : i32
    %swap3A_673 = arith.index_cast %swap3A_672 : i32 to index
    %swap3A_674 = arith.constant 48 : index
    %swap3A_675 = tpu.vector_load %arg7[%swap3A_673, %swap3A_674] {strides = array<i32>} : memref<8x128xi32, #tpu.memory_space<vmem>>, vector<16xi32>,
    tpu.vector_store %arg7[%swap3A_673, %swap3A_674], %shift_right_logical3A_671 {strides = array<i32>} : memref<8x128xi32, #tpu.memory_space<vmem>>, vector<16xi32>,
    %get3A_676 = arith.constant 3 : i32
    %get3A_677 = arith.constant 0 : i32
    %get3A_678 = arith.index_cast %get3A_676 : i32 to index
    %get3A_679 = arith.index_cast %get3A_677 : i32 to index
    %get3A_680 = arith.constant 64 : index
    %get3A_681 = tpu.vector_load %arg6[%get3A_678, %get3A_679, %get3A_680] {strides = array<i32>} : memref<4x2x128xi32, #tpu.memory_space<vmem>>, vector<16xi32>,
    %shift_right_logical3A_682 = arith.constant 4 : i32
    %shift_right_logical3A_683 = vector.broadcast %shift_right_logical3A_682 : i32 to vector<16xi32>
    %shift_right_logical3A_684 = arith.shrui %get3A_681, %shift_right_logical3A_683 : vector<16xi32>
    %swap3A_685 = arith.constant 6 : i32
    %swap3A_686 = arith.index_cast %swap3A_685 : i32 to index
    %swap3A_687 = arith.constant 64 : index
    %swap3A_688 = tpu.vector_load %arg7[%swap3A_686, %swap3A_687] {strides = array<i32>} : memref<8x128xi32, #tpu.memory_space<vmem>>, vector<16xi32>,
    tpu.vector_store %arg7[%swap3A_686, %swap3A_687], %shift_right_logical3A_684 {strides = array<i32>} : memref<8x128xi32, #tpu.memory_space<vmem>>, vector<16xi32>,
    %get3A_689 = arith.constant 3 : i32
    %get3A_690 = arith.constant 0 : i32
    %get3A_691 = arith.index_cast %get3A_689 : i32 to index
    %get3A_692 = arith.index_cast %get3A_690 : i32 to index
    %get3A_693 = arith.constant 80 : index
    %get3A_694 = tpu.vector_load %arg6[%get3A_691, %get3A_692, %get3A_693] {strides = array<i32>} : memref<4x2x128xi32, #tpu.memory_space<vmem>>, vector<16xi32>,
    %shift_right_logical3A_695 = arith.constant 4 : i32
    %shift_right_logical3A_696 = vector.broadcast %shift_right_logical3A_695 : i32 to vector<16xi32>
    %shift_right_logical3A_697 = arith.shrui %get3A_694, %shift_right_logical3A_696 : vector<16xi32>
    %swap3A_698 = arith.constant 6 : i32
    %swap3A_699 = arith.index_cast %swap3A_698 : i32 to index
    %swap3A_700 = arith.constant 80 : index
    %swap3A_701 = tpu.vector_load %arg7[%swap3A_699, %swap3A_700] {strides = array<i32>} : memref<8x128xi32, #tpu.memory_space<vmem>>, vector<16xi32>,
    tpu.vector_store %arg7[%swap3A_699, %swap3A_700], %shift_right_logical3A_697 {strides = array<i32>} : memref<8x128xi32, #tpu.memory_space<vmem>>, vector<16xi32>,
    %get3A_702 = arith.constant 3 : i32
    %get3A_703 = arith.constant 0 : i32
    %get3A_704 = arith.index_cast %get3A_702 : i32 to index
    %get3A_705 = arith.index_cast %get3A_703 : i32 to index
    %get3A_706 = arith.constant 96 : index
    %get3A_707 = tpu.vector_load %arg6[%get3A_704, %get3A_705, %get3A_706] {strides = array<i32>} : memref<4x2x128xi32, #tpu.memory_space<vmem>>, vector<16xi32>,
    %shift_right_logical3A_708 = arith.constant 4 : i32
    %shift_right_logical3A_709 = vector.broadcast %shift_right_logical3A_708 : i32 to vector<16xi32>
    %shift_right_logical3A_710 = arith.shrui %get3A_707, %shift_right_logical3A_709 : vector<16xi32>
    %swap3A_711 = arith.constant 6 : i32
    %swap3A_712 = arith.index_cast %swap3A_711 : i32 to index
    %swap3A_713 = arith.constant 96 : index
    %swap3A_714 = tpu.vector_load %arg7[%swap3A_712, %swap3A_713] {strides = array<i32>} : memref<8x128xi32, #tpu.memory_space<vmem>>, vector<16xi32>,
    tpu.vector_store %arg7[%swap3A_712, %swap3A_713], %shift_right_logical3A_710 {strides = array<i32>} : memref<8x128xi32, #tpu.memory_space<vmem>>, vector<16xi32>,
    %get3A_715 = arith.constant 3 : i32
    %get3A_716 = arith.constant 0 : i32
    %get3A_717 = arith.index_cast %get3A_715 : i32 to index
    %get3A_718 = arith.index_cast %get3A_716 : i32 to index
    %get3A_719 = arith.constant 112 : index
    %get3A_720 = tpu.vector_load %arg6[%get3A_717, %get3A_718, %get3A_719] {strides = array<i32>} : memref<4x2x128xi32, #tpu.memory_space<vmem>>, vector<16xi32>,
    %shift_right_logical3A_721 = arith.constant 4 : i32
    %shift_right_logical3A_722 = vector.broadcast %shift_right_logical3A_721 : i32 to vector<16xi32>
    %shift_right_logical3A_723 = arith.shrui %get3A_720, %shift_right_logical3A_722 : vector<16xi32>
    %swap3A_724 = arith.constant 6 : i32
    %swap3A_725 = arith.index_cast %swap3A_724 : i32 to index
    %swap3A_726 = arith.constant 112 : index
    %swap3A_727 = tpu.vector_load %arg7[%swap3A_725, %swap3A_726] {strides = array<i32>} : memref<8x128xi32, #tpu.memory_space<vmem>>, vector<16xi32>,
    tpu.vector_store %arg7[%swap3A_725, %swap3A_726], %shift_right_logical3A_723 {strides = array<i32>} : memref<8x128xi32, #tpu.memory_space<vmem>>, vector<16xi32>,
    %get3A_728 = arith.constant 3 : i32
    %get3A_729 = arith.constant 1 : i32
    %get3A_730 = arith.index_cast %get3A_728 : i32 to index
    %get3A_731 = arith.index_cast %get3A_729 : i32 to index
    %get3A_732 = arith.constant 0 : index
    %get3A_733 = tpu.vector_load %arg6[%get3A_730, %get3A_731, %get3A_732] {strides = array<i32>} : memref<4x2x128xi32, #tpu.memory_space<vmem>>, vector<16xi32>,
    %shift_right_logical3A_734 = arith.constant 4 : i32
    %shift_right_logical3A_735 = vector.broadcast %shift_right_logical3A_734 : i32 to vector<16xi32>
    %shift_right_logical3A_736 = arith.shrui %get3A_733, %shift_right_logical3A_735 : vector<16xi32>
    %swap3A_737 = arith.constant 7 : i32
    %swap3A_738 = arith.index_cast %swap3A_737 : i32 to index
    %swap3A_739 = arith.constant 0 : index
    %swap3A_740 = tpu.vector_load %arg7[%swap3A_738, %swap3A_739] {strides = array<i32>} : memref<8x128xi32, #tpu.memory_space<vmem>>, vector<16xi32>,
    tpu.vector_store %arg7[%swap3A_738, %swap3A_739], %shift_right_logical3A_736 {strides = array<i32>} : memref<8x128xi32, #tpu.memory_space<vmem>>, vector<16xi32>,
    %get3A_741 = arith.constant 3 : i32
    %get3A_742 = arith.constant 1 : i32
    %get3A_743 = arith.index_cast %get3A_741 : i32 to index
    %get3A_744 = arith.index_cast %get3A_742 : i32 to index
    %get3A_745 = arith.constant 16 : index
    %get3A_746 = tpu.vector_load %arg6[%get3A_743, %get3A_744, %get3A_745] {strides = array<i32>} : memref<4x2x128xi32, #tpu.memory_space<vmem>>, vector<16xi32>,
    %shift_right_logical3A_747 = arith.constant 4 : i32
    %shift_right_logical3A_748 = vector.broadcast %shift_right_logical3A_747 : i32 to vector<16xi32>
    %shift_right_logical3A_749 = arith.shrui %get3A_746, %shift_right_logical3A_748 : vector<16xi32>
    %swap3A_750 = arith.constant 7 : i32
    %swap3A_751 = arith.index_cast %swap3A_750 : i32 to index
    %swap3A_752 = arith.constant 16 : index
    %swap3A_753 = tpu.vector_load %arg7[%swap3A_751, %swap3A_752] {strides = array<i32>} : memref<8x128xi32, #tpu.memory_space<vmem>>, vector<16xi32>,
    tpu.vector_store %arg7[%swap3A_751, %swap3A_752], %shift_right_logical3A_749 {strides = array<i32>} : memref<8x128xi32, #tpu.memory_space<vmem>>, vector<16xi32>,
    %get3A_754 = arith.constant 3 : i32
    %get3A_755 = arith.constant 1 : i32
    %get3A_756 = arith.index_cast %get3A_754 : i32 to index
    %get3A_757 = arith.index_cast %get3A_755 : i32 to index
    %get3A_758 = arith.constant 32 : index
    %get3A_759 = tpu.vector_load %arg6[%get3A_756, %get3A_757, %get3A_758] {strides = array<i32>} : memref<4x2x128xi32, #tpu.memory_space<vmem>>, vector<16xi32>,
    %shift_right_logical3A_760 = arith.constant 4 : i32
    %shift_right_logical3A_761 = vector.broadcast %shift_right_logical3A_760 : i32 to vector<16xi32>
    %shift_right_logical3A_762 = arith.shrui %get3A_759, %shift_right_logical3A_761 : vector<16xi32>
    %swap3A_763 = arith.constant 7 : i32
    %swap3A_764 = arith.index_cast %swap3A_763 : i32 to index
    %swap3A_765 = arith.constant 32 : index
    %swap3A_766 = tpu.vector_load %arg7[%swap3A_764, %swap3A_765] {strides = array<i32>} : memref<8x128xi32, #tpu.memory_space<vmem>>, vector<16xi32>,
    tpu.vector_store %arg7[%swap3A_764, %swap3A_765], %shift_right_logical3A_762 {strides = array<i32>} : memref<8x128xi32, #tpu.memory_space<vmem>>, vector<16xi32>,
    %get3A_767 = arith.constant 3 : i32
    %get3A_768 = arith.constant 1 : i32
    %get3A_769 = arith.index_cast %get3A_767 : i32 to index
    %get3A_770 = arith.index_cast %get3A_768 : i32 to index
    %get3A_771 = arith.constant 48 : index
    %get3A_772 = tpu.vector_load %arg6[%get3A_769, %get3A_770, %get3A_771] {strides = array<i32>} : memref<4x2x128xi32, #tpu.memory_space<vmem>>, vector<16xi32>,
    %shift_right_logical3A_773 = arith.constant 4 : i32
    %shift_right_logical3A_774 = vector.broadcast %shift_right_logical3A_773 : i32 to vector<16xi32>
    %shift_right_logical3A_775 = arith.shrui %get3A_772, %shift_right_logical3A_774 : vector<16xi32>
    %swap3A_776 = arith.constant 7 : i32
    %swap3A_777 = arith.index_cast %swap3A_776 : i32 to index
    %swap3A_778 = arith.constant 48 : index
    %swap3A_779 = tpu.vector_load %arg7[%swap3A_777, %swap3A_778] {strides = array<i32>} : memref<8x128xi32, #tpu.memory_space<vmem>>, vector<16xi32>,
    tpu.vector_store %arg7[%swap3A_777, %swap3A_778], %shift_right_logical3A_775 {strides = array<i32>} : memref<8x128xi32, #tpu.memory_space<vmem>>, vector<16xi32>,
    %get3A_780 = arith.constant 3 : i32
    %get3A_781 = arith.constant 1 : i32
    %get3A_782 = arith.index_cast %get3A_780 : i32 to index
    %get3A_783 = arith.index_cast %get3A_781 : i32 to index
    %get3A_784 = arith.constant 64 : index
    %get3A_785 = tpu.vector_load %arg6[%get3A_782, %get3A_783, %get3A_784] {strides = array<i32>} : memref<4x2x128xi32, #tpu.memory_space<vmem>>, vector<16xi32>,
    %shift_right_logical3A_786 = arith.constant 4 : i32
    %shift_right_logical3A_787 = vector.broadcast %shift_right_logical3A_786 : i32 to vector<16xi32>
    %shift_right_logical3A_788 = arith.shrui %get3A_785, %shift_right_logical3A_787 : vector<16xi32>
    %swap3A_789 = arith.constant 7 : i32
    %swap3A_790 = arith.index_cast %swap3A_789 : i32 to index
    %swap3A_791 = arith.constant 64 : index
    %swap3A_792 = tpu.vector_load %arg7[%swap3A_790, %swap3A_791] {strides = array<i32>} : memref<8x128xi32, #tpu.memory_space<vmem>>, vector<16xi32>,
    tpu.vector_store %arg7[%swap3A_790, %swap3A_791], %shift_right_logical3A_788 {strides = array<i32>} : memref<8x128xi32, #tpu.memory_space<vmem>>, vector<16xi32>,
    %get3A_793 = arith.constant 3 : i32
    %get3A_794 = arith.constant 1 : i32
    %get3A_795 = arith.index_cast %get3A_793 : i32 to index
    %get3A_796 = arith.index_cast %get3A_794 : i32 to index
    %get3A_797 = arith.constant 80 : index
    %get3A_798 = tpu.vector_load %arg6[%get3A_795, %get3A_796, %get3A_797] {strides = array<i32>} : memref<4x2x128xi32, #tpu.memory_space<vmem>>, vector<16xi32>,
    %shift_right_logical3A_799 = arith.constant 4 : i32
    %shift_right_logical3A_800 = vector.broadcast %shift_right_logical3A_799 : i32 to vector<16xi32>
    %shift_right_logical3A_801 = arith.shrui %get3A_798, %shift_right_logical3A_800 : vector<16xi32>
    %swap3A_802 = arith.constant 7 : i32
    %swap3A_803 = arith.index_cast %swap3A_802 : i32 to index
    %swap3A_804 = arith.constant 80 : index
    %swap3A_805 = tpu.vector_load %arg7[%swap3A_803, %swap3A_804] {strides = array<i32>} : memref<8x128xi32, #tpu.memory_space<vmem>>, vector<16xi32>,
    tpu.vector_store %arg7[%swap3A_803, %swap3A_804], %shift_right_logical3A_801 {strides = array<i32>} : memref<8x128xi32, #tpu.memory_space<vmem>>, vector<16xi32>,
    %get3A_806 = arith.constant 3 : i32
    %get3A_807 = arith.constant 1 : i32
    %get3A_808 = arith.index_cast %get3A_806 : i32 to index
    %get3A_809 = arith.index_cast %get3A_807 : i32 to index
    %get3A_810 = arith.constant 96 : index
    %get3A_811 = tpu.vector_load %arg6[%get3A_808, %get3A_809, %get3A_810] {strides = array<i32>} : memref<4x2x128xi32, #tpu.memory_space<vmem>>, vector<16xi32>,
    %shift_right_logical3A_812 = arith.constant 4 : i32
    %shift_right_logical3A_813 = vector.broadcast %shift_right_logical3A_812 : i32 to vector<16xi32>
    %shift_right_logical3A_814 = arith.shrui %get3A_811, %shift_right_logical3A_813 : vector<16xi32>
    %swap3A_815 = arith.constant 7 : i32
    %swap3A_816 = arith.index_cast %swap3A_815 : i32 to index
    %swap3A_817 = arith.constant 96 : index
    %swap3A_818 = tpu.vector_load %arg7[%swap3A_816, %swap3A_817] {strides = array<i32>} : memref<8x128xi32, #tpu.memory_space<vmem>>, vector<16xi32>,
    tpu.vector_store %arg7[%swap3A_816, %swap3A_817], %shift_right_logical3A_814 {strides = array<i32>} : memref<8x128xi32, #tpu.memory_space<vmem>>, vector<16xi32>,
    %get3A_819 = arith.constant 3 : i32
    %get3A_820 = arith.constant 1 : i32
    %get3A_821 = arith.index_cast %get3A_819 : i32 to index
    %get3A_822 = arith.index_cast %get3A_820 : i32 to index
    %get3A_823 = arith.constant 112 : index
    %get3A_824 = tpu.vector_load %arg6[%get3A_821, %get3A_822, %get3A_823] {strides = array<i32>} : memref<4x2x128xi32, #tpu.memory_space<vmem>>, vector<16xi32>,
    %shift_right_logical3A_825 = arith.constant 4 : i32
    %shift_right_logical3A_826 = vector.broadcast %shift_right_logical3A_825 : i32 to vector<16xi32>
    %shift_right_logical3A_827 = arith.shrui %get3A_824, %shift_right_logical3A_826 : vector<16xi32>
    %swap3A_828 = arith.constant 7 : i32
    %swap3A_829 = arith.index_cast %swap3A_828 : i32 to index
    %swap3A_830 = arith.constant 112 : index
    %swap3A_831 = tpu.vector_load %arg7[%swap3A_829, %swap3A_830] {strides = array<i32>} : memref<8x128xi32, #tpu.memory_space<vmem>>, vector<16xi32>,
    tpu.vector_store %arg7[%swap3A_829, %swap3A_830], %shift_right_logical3A_827 {strides = array<i32>} : memref<8x128xi32, #tpu.memory_space<vmem>>, vector<16xi32>,
    %dma_start3A = arith.constant 0 : i32
    %dma_start3A_832 = arith.constant 0 : i32
    %dma_start3A_833 = arith.constant 0 : i32
    %dma_start3A_834 = tpu.memref_slice %arg8[%dma_start3A_832, %dma_start3A_833] : memref<1024x16xf32, #tpu.memory_space<vmem>> -> memref<128x16xf32, #tpu.memory_space<vmem>>
    %dma_start3A_835 = arith.constant 0 : i32
    %dma_start3A_836 = tpu.memref_slice %arg7[%dma_start3A, %dma_start3A_835] : memref<8x128xi32, #tpu.memory_space<vmem>> -> memref<1x128xi32, #tpu.memory_space<vmem>>
    %dma_start3A_837 = tpu.memref_squeeze %dma_start3A_836 : memref<1x128xi32, #tpu.memory_space<vmem>> -> memref<128xi32, #tpu.memory_space<vmem>>
    %dma_start3A_838 = arith.constant 0 : i32
    %dma_start3A_839 = arith.constant 0 : i32
    %dma_start3A_840 = tpu.memref_slice %arg3[%dma_start3A_838, %dma_start3A_839] : memref<65536x16xf32, #tpu.memory_space<hbm>> -> memref<65536x16xf32, #tpu.memory_space<hbm>>
    tpu.enqueue_indirect_dma source(%dma_start3A_840 : memref<65536x16xf32, #tpu.memory_space<hbm>>) target(%dma_start3A_834 : memref<128x16xf32, #tpu.memory_space<vmem>>) offsets(%dma_start3A_837 : memref<128xi32, #tpu.memory_space<vmem>>) semaphore(%arg11 : memref<!tpu.dma_semaphore, #tpu.memory_space<semaphore_mem>>)
    %dma_start3A_841 = arith.constant 1 : i32
    %dma_start3A_842 = arith.constant 128 : i32
    %dma_start3A_843 = arith.constant 0 : i32
    %dma_start3A_844 = tpu.memref_slice %arg8[%dma_start3A_842, %dma_start3A_843] : memref<1024x16xf32, #tpu.memory_space<vmem>> -> memref<128x16xf32, #tpu.memory_space<vmem>>
    %dma_start3A_845 = arith.constant 0 : i32
    %dma_start3A_846 = tpu.memref_slice %arg7[%dma_start3A_841, %dma_start3A_845] : memref<8x128xi32, #tpu.memory_space<vmem>> -> memref<1x128xi32, #tpu.memory_space<vmem>>
    %dma_start3A_847 = tpu.memref_squeeze %dma_start3A_846 : memref<1x128xi32, #tpu.memory_space<vmem>> -> memref<128xi32, #tpu.memory_space<vmem>>
    %dma_start3A_848 = arith.constant 0 : i32
    %dma_start3A_849 = arith.constant 0 : i32
    %dma_start3A_850 = tpu.memref_slice %arg3[%dma_start3A_848, %dma_start3A_849] : memref<65536x16xf32, #tpu.memory_space<hbm>> -> memref<65536x16xf32, #tpu.memory_space<hbm>>
    tpu.enqueue_indirect_dma source(%dma_start3A_850 : memref<65536x16xf32, #tpu.memory_space<hbm>>) target(%dma_start3A_844 : memref<128x16xf32, #tpu.memory_space<vmem>>) offsets(%dma_start3A_847 : memref<128xi32, #tpu.memory_space<vmem>>) semaphore(%arg11 : memref<!tpu.dma_semaphore, #tpu.memory_space<semaphore_mem>>)
    %dma_start3A_851 = arith.constant 2 : i32
    %dma_start3A_852 = arith.constant 256 : i32
    %dma_start3A_853 = arith.constant 0 : i32
    %dma_start3A_854 = tpu.memref_slice %arg8[%dma_start3A_852, %dma_start3A_853] : memref<1024x16xf32, #tpu.memory_space<vmem>> -> memref<128x16xf32, #tpu.memory_space<vmem>>
    %dma_start3A_855 = arith.constant 0 : i32
    %dma_start3A_856 = tpu.memref_slice %arg7[%dma_start3A_851, %dma_start3A_855] : memref<8x128xi32, #tpu.memory_space<vmem>> -> memref<1x128xi32, #tpu.memory_space<vmem>>
    %dma_start3A_857 = tpu.memref_squeeze %dma_start3A_856 : memref<1x128xi32, #tpu.memory_space<vmem>> -> memref<128xi32, #tpu.memory_space<vmem>>
    %dma_start3A_858 = arith.constant 0 : i32
    %dma_start3A_859 = arith.constant 0 : i32
    %dma_start3A_860 = tpu.memref_slice %arg3[%dma_start3A_858, %dma_start3A_859] : memref<65536x16xf32, #tpu.memory_space<hbm>> -> memref<65536x16xf32, #tpu.memory_space<hbm>>
    tpu.enqueue_indirect_dma source(%dma_start3A_860 : memref<65536x16xf32, #tpu.memory_space<hbm>>) target(%dma_start3A_854 : memref<128x16xf32, #tpu.memory_space<vmem>>) offsets(%dma_start3A_857 : memref<128xi32, #tpu.memory_space<vmem>>) semaphore(%arg11 : memref<!tpu.dma_semaphore, #tpu.memory_space<semaphore_mem>>)
    %dma_start3A_861 = arith.constant 3 : i32
    %dma_start3A_862 = arith.constant 384 : i32
    %dma_start3A_863 = arith.constant 0 : i32
    %dma_start3A_864 = tpu.memref_slice %arg8[%dma_start3A_862, %dma_start3A_863] : memref<1024x16xf32, #tpu.memory_space<vmem>> -> memref<128x16xf32, #tpu.memory_space<vmem>>
    %dma_start3A_865 = arith.constant 0 : i32
    %dma_start3A_866 = tpu.memref_slice %arg7[%dma_start3A_861, %dma_start3A_865] : memref<8x128xi32, #tpu.memory_space<vmem>> -> memref<1x128xi32, #tpu.memory_space<vmem>>
    %dma_start3A_867 = tpu.memref_squeeze %dma_start3A_866 : memref<1x128xi32, #tpu.memory_space<vmem>> -> memref<128xi32, #tpu.memory_space<vmem>>
    %dma_start3A_868 = arith.constant 0 : i32
    %dma_start3A_869 = arith.constant 0 : i32
    %dma_start3A_870 = tpu.memref_slice %arg3[%dma_start3A_868, %dma_start3A_869] : memref<65536x16xf32, #tpu.memory_space<hbm>> -> memref<65536x16xf32, #tpu.memory_space<hbm>>
    tpu.enqueue_indirect_dma source(%dma_start3A_870 : memref<65536x16xf32, #tpu.memory_space<hbm>>) target(%dma_start3A_864 : memref<128x16xf32, #tpu.memory_space<vmem>>) offsets(%dma_start3A_867 : memref<128xi32, #tpu.memory_space<vmem>>) semaphore(%arg11 : memref<!tpu.dma_semaphore, #tpu.memory_space<semaphore_mem>>)
    %dma_start3A_871 = arith.constant 4 : i32
    %dma_start3A_872 = arith.constant 512 : i32
    %dma_start3A_873 = arith.constant 0 : i32
    %dma_start3A_874 = tpu.memref_slice %arg8[%dma_start3A_872, %dma_start3A_873] : memref<1024x16xf32, #tpu.memory_space<vmem>> -> memref<128x16xf32, #tpu.memory_space<vmem>>
    %dma_start3A_875 = arith.constant 0 : i32
    %dma_start3A_876 = tpu.memref_slice %arg7[%dma_start3A_871, %dma_start3A_875] : memref<8x128xi32, #tpu.memory_space<vmem>> -> memref<1x128xi32, #tpu.memory_space<vmem>>
    %dma_start3A_877 = tpu.memref_squeeze %dma_start3A_876 : memref<1x128xi32, #tpu.memory_space<vmem>> -> memref<128xi32, #tpu.memory_space<vmem>>
    %dma_start3A_878 = arith.constant 0 : i32
    %dma_start3A_879 = arith.constant 0 : i32
    %dma_start3A_880 = tpu.memref_slice %arg3[%dma_start3A_878, %dma_start3A_879] : memref<65536x16xf32, #tpu.memory_space<hbm>> -> memref<65536x16xf32, #tpu.memory_space<hbm>>
    tpu.enqueue_indirect_dma source(%dma_start3A_880 : memref<65536x16xf32, #tpu.memory_space<hbm>>) target(%dma_start3A_874 : memref<128x16xf32, #tpu.memory_space<vmem>>) offsets(%dma_start3A_877 : memref<128xi32, #tpu.memory_space<vmem>>) semaphore(%arg11 : memref<!tpu.dma_semaphore, #tpu.memory_space<semaphore_mem>>)
    %dma_start3A_881 = arith.constant 5 : i32
    %dma_start3A_882 = arith.constant 640 : i32
    %dma_start3A_883 = arith.constant 0 : i32
    %dma_start3A_884 = tpu.memref_slice %arg8[%dma_start3A_882, %dma_start3A_883] : memref<1024x16xf32, #tpu.memory_space<vmem>> -> memref<128x16xf32, #tpu.memory_space<vmem>>
    %dma_start3A_885 = arith.constant 0 : i32
    %dma_start3A_886 = tpu.memref_slice %arg7[%dma_start3A_881, %dma_start3A_885] : memref<8x128xi32, #tpu.memory_space<vmem>> -> memref<1x128xi32, #tpu.memory_space<vmem>>
    %dma_start3A_887 = tpu.memref_squeeze %dma_start3A_886 : memref<1x128xi32, #tpu.memory_space<vmem>> -> memref<128xi32, #tpu.memory_space<vmem>>
    %dma_start3A_888 = arith.constant 0 : i32
    %dma_start3A_889 = arith.constant 0 : i32
    %dma_start3A_890 = tpu.memref_slice %arg3[%dma_start3A_888, %dma_start3A_889] : memref<65536x16xf32, #tpu.memory_space<hbm>> -> memref<65536x16xf32, #tpu.memory_space<hbm>>
    tpu.enqueue_indirect_dma source(%dma_start3A_890 : memref<65536x16xf32, #tpu.memory_space<hbm>>) target(%dma_start3A_884 : memref<128x16xf32, #tpu.memory_space<vmem>>) offsets(%dma_start3A_887 : memref<128xi32, #tpu.memory_space<vmem>>) semaphore(%arg11 : memref<!tpu.dma_semaphore, #tpu.memory_space<semaphore_mem>>)
    %dma_start3A_891 = arith.constant 6 : i32
    %dma_start3A_892 = arith.constant 768 : i32
    %dma_start3A_893 = arith.constant 0 : i32
    %dma_start3A_894 = tpu.memref_slice %arg8[%dma_start3A_892, %dma_start3A_893] : memref<1024x16xf32, #tpu.memory_space<vmem>> -> memref<128x16xf32, #tpu.memory_space<vmem>>
    %dma_start3A_895 = arith.constant 0 : i32
    %dma_start3A_896 = tpu.memref_slice %arg7[%dma_start3A_891, %dma_start3A_895] : memref<8x128xi32, #tpu.memory_space<vmem>> -> memref<1x128xi32, #tpu.memory_space<vmem>>
    %dma_start3A_897 = tpu.memref_squeeze %dma_start3A_896 : memref<1x128xi32, #tpu.memory_space<vmem>> -> memref<128xi32, #tpu.memory_space<vmem>>
    %dma_start3A_898 = arith.constant 0 : i32
    %dma_start3A_899 = arith.constant 0 : i32
    %dma_start3A_900 = tpu.memref_slice %arg3[%dma_start3A_898, %dma_start3A_899] : memref<65536x16xf32, #tpu.memory_space<hbm>> -> memref<65536x16xf32, #tpu.memory_space<hbm>>
    tpu.enqueue_indirect_dma source(%dma_start3A_900 : memref<65536x16xf32, #tpu.memory_space<hbm>>) target(%dma_start3A_894 : memref<128x16xf32, #tpu.memory_space<vmem>>) offsets(%dma_start3A_897 : memref<128xi32, #tpu.memory_space<vmem>>) semaphore(%arg11 : memref<!tpu.dma_semaphore, #tpu.memory_space<semaphore_mem>>)
    %dma_start3A_901 = arith.constant 7 : i32
    %dma_start3A_902 = arith.constant 896 : i32
    %dma_start3A_903 = arith.constant 0 : i32
    %dma_start3A_904 = tpu.memref_slice %arg8[%dma_start3A_902, %dma_start3A_903] : memref<1024x16xf32, #tpu.memory_space<vmem>> -> memref<128x16xf32, #tpu.memory_space<vmem>>
    %dma_start3A_905 = arith.constant 0 : i32
    %dma_start3A_906 = tpu.memref_slice %arg7[%dma_start3A_901, %dma_start3A_905] : memref<8x128xi32, #tpu.memory_space<vmem>> -> memref<1x128xi32, #tpu.memory_space<vmem>>
    %dma_start3A_907 = tpu.memref_squeeze %dma_start3A_906 : memref<1x128xi32, #tpu.memory_space<vmem>> -> memref<128xi32, #tpu.memory_space<vmem>>
    %dma_start3A_908 = arith.constant 0 : i32
    %dma_start3A_909 = arith.constant 0 : i32
    %dma_start3A_910 = tpu.memref_slice %arg3[%dma_start3A_908, %dma_start3A_909] : memref<65536x16xf32, #tpu.memory_space<hbm>> -> memref<65536x16xf32, #tpu.memory_space<hbm>>
    tpu.enqueue_indirect_dma source(%dma_start3A_910 : memref<65536x16xf32, #tpu.memory_space<hbm>>) target(%dma_start3A_904 : memref<128x16xf32, #tpu.memory_space<vmem>>) offsets(%dma_start3A_907 : memref<128xi32, #tpu.memory_space<vmem>>) semaphore(%arg11 : memref<!tpu.dma_semaphore, #tpu.memory_space<semaphore_mem>>)
    %dma_wait3A = arith.constant 0 : i32
    %dma_wait3A_911 = arith.constant 0 : i32
    %dma_wait3A_912 = arith.constant 0 : i32
    %dma_wait3A_913 = tpu.memref_slice %arg8[%dma_wait3A_911, %dma_wait3A_912] : memref<1024x16xf32, #tpu.memory_space<vmem>> -> memref<128x16xf32, #tpu.memory_space<vmem>>
    %dma_wait3A_914 = arith.constant 0 : i32
    %dma_wait3A_915 = tpu.memref_slice %arg7[%dma_wait3A, %dma_wait3A_914] : memref<8x128xi32, #tpu.memory_space<vmem>> -> memref<1x128xi32, #tpu.memory_space<vmem>>
    %dma_wait3A_916 = tpu.memref_squeeze %dma_wait3A_915 : memref<1x128xi32, #tpu.memory_space<vmem>> -> memref<128xi32, #tpu.memory_space<vmem>>
    %dma_wait3A_917 = arith.constant 0 : i32
    %dma_wait3A_918 = arith.constant 0 : i32
    %dma_wait3A_919 = tpu.memref_slice %arg3[%dma_wait3A_917, %dma_wait3A_918] : memref<65536x16xf32, #tpu.memory_space<hbm>> -> memref<65536x16xf32, #tpu.memory_space<hbm>>
    tpu.wait_indirect_dma semaphore(%arg11 : memref<!tpu.dma_semaphore, #tpu.memory_space<semaphore_mem>>) src(%dma_wait3A_919 : memref<65536x16xf32, #tpu.memory_space<hbm>>) dst(%dma_wait3A_913 : memref<128x16xf32, #tpu.memory_space<vmem>>)
    %dma_wait3A_920 = arith.constant 1 : i32
    %dma_wait3A_921 = arith.constant 128 : i32
    %dma_wait3A_922 = arith.constant 0 : i32
    %dma_wait3A_923 = tpu.memref_slice %arg8[%dma_wait3A_921, %dma_wait3A_922] : memref<1024x16xf32, #tpu.memory_space<vmem>> -> memref<128x16xf32, #tpu.memory_space<vmem>>
    %dma_wait3A_924 = arith.constant 0 : i32
    %dma_wait3A_925 = tpu.memref_slice %arg7[%dma_wait3A_920, %dma_wait3A_924] : memref<8x128xi32, #tpu.memory_space<vmem>> -> memref<1x128xi32, #tpu.memory_space<vmem>>
    %dma_wait3A_926 = tpu.memref_squeeze %dma_wait3A_925 : memref<1x128xi32, #tpu.memory_space<vmem>> -> memref<128xi32, #tpu.memory_space<vmem>>
    %dma_wait3A_927 = arith.constant 0 : i32
    %dma_wait3A_928 = arith.constant 0 : i32
    %dma_wait3A_929 = tpu.memref_slice %arg3[%dma_wait3A_927, %dma_wait3A_928] : memref<65536x16xf32, #tpu.memory_space<hbm>> -> memref<65536x16xf32, #tpu.memory_space<hbm>>
    tpu.wait_indirect_dma semaphore(%arg11 : memref<!tpu.dma_semaphore, #tpu.memory_space<semaphore_mem>>) src(%dma_wait3A_929 : memref<65536x16xf32, #tpu.memory_space<hbm>>) dst(%dma_wait3A_923 : memref<128x16xf32, #tpu.memory_space<vmem>>)
    %dma_wait3A_930 = arith.constant 2 : i32
    %dma_wait3A_931 = arith.constant 256 : i32
    %dma_wait3A_932 = arith.constant 0 : i32
    %dma_wait3A_933 = tpu.memref_slice %arg8[%dma_wait3A_931, %dma_wait3A_932] : memref<1024x16xf32, #tpu.memory_space<vmem>> -> memref<128x16xf32, #tpu.memory_space<vmem>>
    %dma_wait3A_934 = arith.constant 0 : i32
    %dma_wait3A_935 = tpu.memref_slice %arg7[%dma_wait3A_930, %dma_wait3A_934] : memref<8x128xi32, #tpu.memory_space<vmem>> -> memref<1x128xi32, #tpu.memory_space<vmem>>
    %dma_wait3A_936 = tpu.memref_squeeze %dma_wait3A_935 : memref<1x128xi32, #tpu.memory_space<vmem>> -> memref<128xi32, #tpu.memory_space<vmem>>
    %dma_wait3A_937 = arith.constant 0 : i32
    %dma_wait3A_938 = arith.constant 0 : i32
    %dma_wait3A_939 = tpu.memref_slice %arg3[%dma_wait3A_937, %dma_wait3A_938] : memref<65536x16xf32, #tpu.memory_space<hbm>> -> memref<65536x16xf32, #tpu.memory_space<hbm>>
    tpu.wait_indirect_dma semaphore(%arg11 : memref<!tpu.dma_semaphore, #tpu.memory_space<semaphore_mem>>) src(%dma_wait3A_939 : memref<65536x16xf32, #tpu.memory_space<hbm>>) dst(%dma_wait3A_933 : memref<128x16xf32, #tpu.memory_space<vmem>>)
    %dma_wait3A_940 = arith.constant 3 : i32
    %dma_wait3A_941 = arith.constant 384 : i32
    %dma_wait3A_942 = arith.constant 0 : i32
    %dma_wait3A_943 = tpu.memref_slice %arg8[%dma_wait3A_941, %dma_wait3A_942] : memref<1024x16xf32, #tpu.memory_space<vmem>> -> memref<128x16xf32, #tpu.memory_space<vmem>>
    %dma_wait3A_944 = arith.constant 0 : i32
    %dma_wait3A_945 = tpu.memref_slice %arg7[%dma_wait3A_940, %dma_wait3A_944] : memref<8x128xi32, #tpu.memory_space<vmem>> -> memref<1x128xi32, #tpu.memory_space<vmem>>
    %dma_wait3A_946 = tpu.memref_squeeze %dma_wait3A_945 : memref<1x128xi32, #tpu.memory_space<vmem>> -> memref<128xi32, #tpu.memory_space<vmem>>
    %dma_wait3A_947 = arith.constant 0 : i32
    %dma_wait3A_948 = arith.constant 0 : i32
    %dma_wait3A_949 = tpu.memref_slice %arg3[%dma_wait3A_947, %dma_wait3A_948] : memref<65536x16xf32, #tpu.memory_space<hbm>> -> memref<65536x16xf32, #tpu.memory_space<hbm>>
    tpu.wait_indirect_dma semaphore(%arg11 : memref<!tpu.dma_semaphore, #tpu.memory_space<semaphore_mem>>) src(%dma_wait3A_949 : memref<65536x16xf32, #tpu.memory_space<hbm>>) dst(%dma_wait3A_943 : memref<128x16xf32, #tpu.memory_space<vmem>>)
    %dma_wait3A_950 = arith.constant 4 : i32
    %dma_wait3A_951 = arith.constant 512 : i32
    %dma_wait3A_952 = arith.constant 0 : i32
    %dma_wait3A_953 = tpu.memref_slice %arg8[%dma_wait3A_951, %dma_wait3A_952] : memref<1024x16xf32, #tpu.memory_space<vmem>> -> memref<128x16xf32, #tpu.memory_space<vmem>>
    %dma_wait3A_954 = arith.constant 0 : i32
    %dma_wait3A_955 = tpu.memref_slice %arg7[%dma_wait3A_950, %dma_wait3A_954] : memref<8x128xi32, #tpu.memory_space<vmem>> -> memref<1x128xi32, #tpu.memory_space<vmem>>
    %dma_wait3A_956 = tpu.memref_squeeze %dma_wait3A_955 : memref<1x128xi32, #tpu.memory_space<vmem>> -> memref<128xi32, #tpu.memory_space<vmem>>
    %dma_wait3A_957 = arith.constant 0 : i32
    %dma_wait3A_958 = arith.constant 0 : i32
    %dma_wait3A_959 = tpu.memref_slice %arg3[%dma_wait3A_957, %dma_wait3A_958] : memref<65536x16xf32, #tpu.memory_space<hbm>> -> memref<65536x16xf32, #tpu.memory_space<hbm>>
    tpu.wait_indirect_dma semaphore(%arg11 : memref<!tpu.dma_semaphore, #tpu.memory_space<semaphore_mem>>) src(%dma_wait3A_959 : memref<65536x16xf32, #tpu.memory_space<hbm>>) dst(%dma_wait3A_953 : memref<128x16xf32, #tpu.memory_space<vmem>>)
    %dma_wait3A_960 = arith.constant 5 : i32
    %dma_wait3A_961 = arith.constant 640 : i32
    %dma_wait3A_962 = arith.constant 0 : i32
    %dma_wait3A_963 = tpu.memref_slice %arg8[%dma_wait3A_961, %dma_wait3A_962] : memref<1024x16xf32, #tpu.memory_space<vmem>> -> memref<128x16xf32, #tpu.memory_space<vmem>>
    %dma_wait3A_964 = arith.constant 0 : i32
    %dma_wait3A_965 = tpu.memref_slice %arg7[%dma_wait3A_960, %dma_wait3A_964] : memref<8x128xi32, #tpu.memory_space<vmem>> -> memref<1x128xi32, #tpu.memory_space<vmem>>
    %dma_wait3A_966 = tpu.memref_squeeze %dma_wait3A_965 : memref<1x128xi32, #tpu.memory_space<vmem>> -> memref<128xi32, #tpu.memory_space<vmem>>
    %dma_wait3A_967 = arith.constant 0 : i32
    %dma_wait3A_968 = arith.constant 0 : i32
    %dma_wait3A_969 = tpu.memref_slice %arg3[%dma_wait3A_967, %dma_wait3A_968] : memref<65536x16xf32, #tpu.memory_space<hbm>> -> memref<65536x16xf32, #tpu.memory_space<hbm>>
    tpu.wait_indirect_dma semaphore(%arg11 : memref<!tpu.dma_semaphore, #tpu.memory_space<semaphore_mem>>) src(%dma_wait3A_969 : memref<65536x16xf32, #tpu.memory_space<hbm>>) dst(%dma_wait3A_963 : memref<128x16xf32, #tpu.memory_space<vmem>>)
    %dma_wait3A_970 = arith.constant 6 : i32
    %dma_wait3A_971 = arith.constant 768 : i32
    %dma_wait3A_972 = arith.constant 0 : i32
    %dma_wait3A_973 = tpu.memref_slice %arg8[%dma_wait3A_971, %dma_wait3A_972] : memref<1024x16xf32, #tpu.memory_space<vmem>> -> memref<128x16xf32, #tpu.memory_space<vmem>>
    %dma_wait3A_974 = arith.constant 0 : i32
    %dma_wait3A_975 = tpu.memref_slice %arg7[%dma_wait3A_970, %dma_wait3A_974] : memref<8x128xi32, #tpu.memory_space<vmem>> -> memref<1x128xi32, #tpu.memory_space<vmem>>
    %dma_wait3A_976 = tpu.memref_squeeze %dma_wait3A_975 : memref<1x128xi32, #tpu.memory_space<vmem>> -> memref<128xi32, #tpu.memory_space<vmem>>
    %dma_wait3A_977 = arith.constant 0 : i32
    %dma_wait3A_978 = arith.constant 0 : i32
    %dma_wait3A_979 = tpu.memref_slice %arg3[%dma_wait3A_977, %dma_wait3A_978] : memref<65536x16xf32, #tpu.memory_space<hbm>> -> memref<65536x16xf32, #tpu.memory_space<hbm>>
    tpu.wait_indirect_dma semaphore(%arg11 : memref<!tpu.dma_semaphore, #tpu.memory_space<semaphore_mem>>) src(%dma_wait3A_979 : memref<65536x16xf32, #tpu.memory_space<hbm>>) dst(%dma_wait3A_973 : memref<128x16xf32, #tpu.memory_space<vmem>>)
    %dma_wait3A_980 = arith.constant 7 : i32
    %dma_wait3A_981 = arith.constant 896 : i32
    %dma_wait3A_982 = arith.constant 0 : i32
    %dma_wait3A_983 = tpu.memref_slice %arg8[%dma_wait3A_981, %dma_wait3A_982] : memref<1024x16xf32, #tpu.memory_space<vmem>> -> memref<128x16xf32, #tpu.memory_space<vmem>>
    %dma_wait3A_984 = arith.constant 0 : i32
    %dma_wait3A_985 = tpu.memref_slice %arg7[%dma_wait3A_980, %dma_wait3A_984] : memref<8x128xi32, #tpu.memory_space<vmem>> -> memref<1x128xi32, #tpu.memory_space<vmem>>
    %dma_wait3A_986 = tpu.memref_squeeze %dma_wait3A_985 : memref<1x128xi32, #tpu.memory_space<vmem>> -> memref<128xi32, #tpu.memory_space<vmem>>
    %dma_wait3A_987 = arith.constant 0 : i32
    %dma_wait3A_988 = arith.constant 0 : i32
    %dma_wait3A_989 = tpu.memref_slice %arg3[%dma_wait3A_987, %dma_wait3A_988] : memref<65536x16xf32, #tpu.memory_space<hbm>> -> memref<65536x16xf32, #tpu.memory_space<hbm>>
    tpu.wait_indirect_dma semaphore(%arg11 : memref<!tpu.dma_semaphore, #tpu.memory_space<semaphore_mem>>) src(%dma_wait3A_989 : memref<65536x16xf32, #tpu.memory_space<hbm>>) dst(%dma_wait3A_983 : memref<128x16xf32, #tpu.memory_space<vmem>>)
    %iota3A = tpu.iota {dimensions = array<i32: 0>} : vector<16xi32>
    %broadcast_in_dim3A = arith.constant 0 : i32
    %broadcast_in_dim3A_990 = vector.broadcast %broadcast_in_dim3A : i32 to vector<16xi32>
    %broadcast_in_dim3A_991 = arith.constant 1 : i32
    %broadcast_in_dim3A_992 = vector.broadcast %broadcast_in_dim3A_991 : i32 to vector<16xi32>
    %get3A_993 = arith.constant 0 : i32
    %get3A_994 = arith.index_cast %get3A_993 : i32 to index
    %get3A_995 = arith.constant 0 : index
    %get3A_996 = tpu.vector_load %arg9[%get3A_994, %get3A_995] {strides = array<i32>} : memref<3x128xf32, #tpu.memory_space<vmem>>, vector<16xf32>,
    %get3A_997 = arith.constant 1 : i32
    %get3A_998 = arith.index_cast %get3A_997 : i32 to index
    %get3A_999 = arith.constant 0 : index
    %get3A_1000 = tpu.vector_load %arg9[%get3A_998, %get3A_999] {strides = array<i32>} : memref<3x128xf32, #tpu.memory_space<vmem>>, vector<16xf32>,
    %get3A_1001 = arith.constant 2 : i32
    %get3A_1002 = arith.index_cast %get3A_1001 : i32 to index
    %get3A_1003 = arith.constant 0 : index
    %get3A_1004 = tpu.vector_load %arg9[%get3A_1002, %get3A_1003] {strides = array<i32>} : memref<3x128xf32, #tpu.memory_space<vmem>>, vector<16xf32>,
    %scan3A = arith.constant 0 : i32
    %scan3A_1005 = arith.constant 0 : i32
    %scan3A_1006 = arith.constant 32 : i32
    %scan3A_1007 = arith.addi %scan3A_1005, %scan3A_1006 : i32
    %scan3A_1008 = arith.constant 1 : i32
    scf.for %scan3A_1012 = %scan3A_1005 to %scan3A_1007 step %scan3A_1008  : i32 {
      %mul3A_1013 = arith.constant 16 : i32
      %mul3A_1014 = arith.muli %scan3A_1012, %mul3A_1013 : i32
      %add3A_1015 = vector.broadcast %mul3A_1014 : i32 to vector<16xi32>
      %add3A_1016 = arith.addi %add3A_1015, %iota3A : vector<16xi32>
      %shift_right_logical3A_1017 = arith.constant 7 : i32
      %shift_right_logical3A_1018 = vector.broadcast %shift_right_logical3A_1017 : i32 to vector<16xi32>
      %shift_right_logical3A_1019 = arith.shrui %add3A_1016, %shift_right_logical3A_1018 : vector<16xi32>
      %and3A = arith.constant 127 : i32
      %and3A_1020 = vector.broadcast %and3A : i32 to vector<16xi32>
      %and3A_1021 = arith.andi %add3A_1016, %and3A_1020 : vector<16xi32>
      %gather3A = tpu.vector_load_idx %arg6[%shift_right_logical3A_1019, %broadcast_in_dim3A_990, %and3A_1021] : memref<4x2x128xi32, #tpu.memory_space<vmem>>[vector<16xi32>, vector<16xi32>, vector<16xi32>], vector<16xi32>,
      %and3A_1022 = arith.constant 15 : i32
      %and3A_1023 = vector.broadcast %and3A_1022 : i32 to vector<16xi32>
      %and3A_1024 = arith.andi %gather3A, %and3A_1023 : vector<16xi32>
      %gather3A_1025 = tpu.vector_load_idx %arg6[%shift_right_logical3A_1019, %broadcast_in_dim3A_992, %and3A_1021] : memref<4x2x128xi32, #tpu.memory_space<vmem>>[vector<16xi32>, vector<16xi32>, vector<16xi32>], vector<16xi32>,
      %and3A_1026 = arith.constant 15 : i32
      %and3A_1027 = vector.broadcast %and3A_1026 : i32 to vector<16xi32>
      %and3A_1028 = arith.andi %gather3A_1025, %and3A_1027 : vector<16xi32>
      %mul3A_1029 = arith.constant 256 : i32
      %mul3A_1030 = vector.broadcast %mul3A_1029 : i32 to vector<16xi32>
      %mul3A_1031 = arith.muli %shift_right_logical3A_1019, %mul3A_1030 : vector<16xi32>
      %add3A_1032 = arith.addi %mul3A_1031, %and3A_1021 : vector<16xi32>
      %add3A_1033 = arith.constant 128 : i32
      %add3A_1034 = vector.broadcast %add3A_1033 : i32 to vector<16xi32>
      %add3A_1035 = arith.addi %add3A_1032, %add3A_1034 : vector<16xi32>
      %gather3A_1036 = tpu.vector_load_idx %arg8[%add3A_1032, %and3A_1024] : memref<1024x16xf32, #tpu.memory_space<vmem>>[vector<16xi32>, vector<16xi32>], vector<16xf32>,
      %gather3A_1037 = tpu.vector_load_idx %arg8[%add3A_1035, %and3A_1028] : memref<1024x16xf32, #tpu.memory_space<vmem>>[vector<16xi32>, vector<16xi32>], vector<16xf32>,
      %mul3A_1038 = arith.mulf %get3A_996, %gather3A_1036 : vector<16xf32>
      %mul3A_1039 = arith.mulf %get3A_1000, %gather3A_1037 : vector<16xf32>
      %add3A_1040 = arith.addf %mul3A_1038, %mul3A_1039 : vector<16xf32>
      %add3A_1041 = arith.addf %add3A_1040, %get3A_1004 : vector<16xf32>
      %exp3A = math.exp %add3A_1041 : vector<16xf32>
      %add3A_1042 = arith.constant 1.000000e+00 : f32
      %add3A_1043 = vector.broadcast %add3A_1042 : f32 to vector<16xf32>
      %add3A_1044 = arith.addf %add3A_1043, %exp3A : vector<16xf32>
      %div3A = arith.constant 1.000000e+00 : f32
      %div3A_1045 = vector.broadcast %div3A : f32 to vector<16xf32>
      %div3A_1046 = arith.divf %div3A_1045, %add3A_1044 : vector<16xf32>
      %sub3A = arith.constant 1.000000e+00 : f32
      %sub3A_1047 = vector.broadcast %sub3A : f32 to vector<16xf32>
      %sub3A_1048 = arith.subf %sub3A_1047, %div3A_1046 : vector<16xf32>
      tpu.vector_store_idx %arg10[%shift_right_logical3A_1019, %broadcast_in_dim3A_990, %and3A_1021], %div3A_1046 : memref<4x2x128xf32, #tpu.memory_space<vmem>>[vector<16xi32>, vector<16xi32>, vector<16xi32>], vector<16xf32>,
      tpu.vector_store_idx %arg10[%shift_right_logical3A_1019, %broadcast_in_dim3A_992, %and3A_1021], %sub3A_1048 : memref<4x2x128xf32, #tpu.memory_space<vmem>>[vector<16xi32>, vector<16xi32>, vector<16xi32>], vector<16xf32>,
    }
    %scan3A_1009 = arith.constant 32 : i32
    %mul3A_1010 = arith.constant 4 : i32
    %mul3A_1011 = arith.muli %add3A, %mul3A_1010 : i32
    "tpu.region"() ({
      %run_scoped3A = tpu.sem_alloc : memref<!tpu.dma_semaphore, #tpu.memory_space<semaphore_mem>>
      %dma_start3A_1012 = arith.constant 0 : i32
      %dma_start3A_1013 = arith.constant 0 : i32
      %dma_start3A_1014 = tpu.memref_slice %arg5[%mul3A_1011, %dma_start3A_1012, %dma_start3A_1013] : memref<128x2x128xf32, #tpu.memory_space<hbm>> -> memref<4x2x128xf32, #tpu.memory_space<hbm>>
      %dma_start3A_1015 = arith.constant 0 : i32
      %dma_start3A_1016 = arith.constant 0 : i32
      %dma_start3A_1017 = tpu.memref_slice %arg5[%mul3A_1011, %dma_start3A_1015, %dma_start3A_1016] : memref<128x2x128xf32, #tpu.memory_space<hbm>> -> memref<4x2x128xf32, #tpu.memory_space<hbm>>
      tpu.enqueue_dma source(%arg10 : memref<4x2x128xf32, #tpu.memory_space<vmem>>) target(%dma_start3A_1017 : memref<4x2x128xf32, #tpu.memory_space<hbm>>) target_semaphore(%run_scoped3A : memref<!tpu.dma_semaphore, #tpu.memory_space<semaphore_mem>>)
      %dma_wait3A_1018 = arith.constant 0 : i32
      %dma_wait3A_1019 = arith.constant 0 : i32
      %dma_wait3A_1020 = tpu.memref_slice %arg5[%mul3A_1011, %dma_wait3A_1018, %dma_wait3A_1019] : memref<128x2x128xf32, #tpu.memory_space<hbm>> -> memref<4x2x128xf32, #tpu.memory_space<hbm>>
      %dma_wait3A_1021 = arith.constant 0 : i32
      %dma_wait3A_1022 = arith.constant 0 : i32
      %dma_wait3A_1023 = tpu.memref_slice %arg5[%mul3A_1011, %dma_wait3A_1021, %dma_wait3A_1022] : memref<128x2x128xf32, #tpu.memory_space<hbm>> -> memref<4x2x128xf32, #tpu.memory_space<hbm>>
      tpu.wait_dma2 semaphore(%run_scoped3A : memref<!tpu.dma_semaphore, #tpu.memory_space<semaphore_mem>>) src(%arg10 : memref<4x2x128xf32, #tpu.memory_space<vmem>>) dst(%dma_wait3A_1023 : memref<4x2x128xf32, #tpu.memory_space<hbm>>)
      tpu.yield
    }) : () -> ()
    return
  }
}

module attributes {stable_mosaic.version = 14 : i64} {
  func.func @_tc_project(%arg0: i32, %arg1: memref<16x131072xf32, #tpu.memory_space<vmem>>, %arg2: memref<2x16xf32, #tpu.memory_space<vmem>>, %arg3: memref<1x2xf32, #tpu.memory_space<vmem>>, %arg4: memref<1x1xf32, #tpu.memory_space<vmem>>, %arg5: memref<1x2xf32, #tpu.memory_space<vmem>>, %arg6: memref<1024x128xf32, #tpu.memory_space<vmem>>, %arg7: memref<3x128xf32, #tpu.memory_space<vmem>>) attributes {dimension_semantics = [#tpu.dimension_semantics<arbitrary>], iteration_bounds = array<i64: 8>, scalar_prefetch = 0 : i64, scratch_operands = 0 : i64, tpu.core_type = #tpu.core_type<tc>, window_params = [{transform_indices = @transform_0, window_bounds = array<i64: 16, 131072>}, {pipeline_mode = #tpu.pipeline_mode<synchronous>, transform_indices = @transform_1, window_bounds = array<i64: 2, 16>}, {pipeline_mode = #tpu.pipeline_mode<synchronous>, transform_indices = @transform_2, window_bounds = array<i64: 1, 2>}, {pipeline_mode = #tpu.pipeline_mode<synchronous>, transform_indices = @transform_3, window_bounds = array<i64: 1, 1>}, {pipeline_mode = #tpu.pipeline_mode<synchronous>, transform_indices = @transform_4, window_bounds = array<i64: 1, 2>}, {transform_indices = @transform_5, window_bounds = array<i64: 1024, 128>}, {pipeline_mode = #tpu.pipeline_mode<synchronous>, transform_indices = @transform_6, window_bounds = array<i64: 3, 128>}]} {
    %get3A = arith.constant 0 : index
    %get3A_0 = arith.constant 0 : index
    %get3A_1 = vector.load %arg2[%get3A, %get3A_0] : memref<2x16xf32, #tpu.memory_space<vmem>>, vector<2x16xf32>
    %slice3A = vector.extract_strided_slice %get3A_1 {offsets = [1, 0], sizes = [1, 16], strides = [1, 1]} : vector<2x16xf32> to vector<1x16xf32>
    %slice3A_2 = vector.extract_strided_slice %get3A_1 {offsets = [0, 0], sizes = [1, 16], strides = [1, 1]} : vector<2x16xf32> to vector<1x16xf32>
    %sub3A = arith.subf %slice3A, %slice3A_2 : vector<1x16xf32>
    %get3A_3 = arith.constant 0 : index
    %get3A_4 = arith.constant 0 : index
    %get3A_5 = vector.load %arg1[%get3A_3, %get3A_4] : memref<16x131072xf32, #tpu.memory_space<vmem>>, vector<16x131072xf32>
    %dot_general3A = arith.constant dense<0.000000e+00> : vector<1x131072xf32>
    %dot_general3A_6 = tpu.matmul %sub3A, %get3A_5, %dot_general3A {dimension_numbers = #tpu.dot_dimension_numbers<[1], [0], [0], [1], [0, 0, 1, 1], [], []>, transpose_lhs_hint = false} : vector<1x16xf32>, vector<16x131072xf32>, vector<1x131072xf32> -> vector<1x131072xf32>
    %reshape3A = vector.shape_cast %dot_general3A_6 : vector<1x131072xf32> to vector<1024x128xf32>
    %swap3A = arith.constant 0 : index
    %swap3A_7 = arith.constant 0 : index
    %swap3A_8 = vector.load %arg6[%swap3A, %swap3A_7] : memref<1024x128xf32, #tpu.memory_space<vmem>>, vector<1024x128xf32>
    tpu.vector_store %arg6[%swap3A, %swap3A_7], %reshape3A {strides = array<i32>} : memref<1024x128xf32, #tpu.memory_space<vmem>>, vector<1024x128xf32>,
    %eq3A = arith.constant 0 : i32
    %eq3A_9 = arith.cmpi eq, %arg0, %eq3A : i32
    %convert_element_type3A = arith.extui %eq3A_9 : i1 to i32
    %cond3A = arith.constant 0 : i32
    %cond3A_10 = arith.cmpi ne, %convert_element_type3A, %cond3A : i32
    scf.if %cond3A_10 {
      %get3A_11 = arith.constant 0 : index
      %get3A_12 = arith.constant 0 : index
      %get3A_13 = vector.load %arg3[%get3A_11, %get3A_12] : memref<1x2xf32, #tpu.memory_space<vmem>>, vector<1x2xf32>
      %get3A_14 = arith.constant 0 : index
      %get3A_15 = arith.constant 0 : index
      %get3A_16 = vector.load %arg4[%get3A_14, %get3A_15] : memref<1x1xf32, #tpu.memory_space<vmem>>, vector<1x1xf32>
      %get3A_17 = arith.constant 0 : index
      %get3A_18 = arith.constant 0 : index
      %get3A_19 = vector.load %arg5[%get3A_17, %get3A_18] : memref<1x2xf32, #tpu.memory_space<vmem>>, vector<1x2xf32>
      %squeeze3A = vector.extract %get3A_16[0, 0] : f32 from vector<1x1xf32>
      %reduce_sum3A = vector.shape_cast %sub3A : vector<1x16xf32> to vector<1x1x16xf32>
      %reduce_sum3A_20 = arith.constant dense<0.000000e+00> : vector<1xf32>
      %reduce_sum3A_21 = vector.multi_reduction <add>, %reduce_sum3A, %reduce_sum3A_20 [1, 2] : vector<1x1x16xf32> to vector<1xf32>
      %reduce_sum3A_22 = vector.shape_cast %reduce_sum3A_21 : vector<1xf32> to vector<1x1x1xf32>
      %reduce_sum3A_23 = vector.extract %reduce_sum3A_22[0, 0, 0] : f32 from vector<1x1x1xf32>
      %mul3A = arith.mulf %squeeze3A, %reduce_sum3A_23 : f32
      %slice3A_24 = vector.extract_strided_slice %get3A_19 {offsets = [0, 1], sizes = [1, 1], strides = [1, 1]} : vector<1x2xf32> to vector<1x1xf32>
      %squeeze3A_25 = vector.extract %slice3A_24[0, 0] : f32 from vector<1x1xf32>
      %slice3A_26 = vector.extract_strided_slice %get3A_19 {offsets = [0, 0], sizes = [1, 1], strides = [1, 1]} : vector<1x2xf32> to vector<1x1xf32>
      %squeeze3A_27 = vector.extract %slice3A_26[0, 0] : f32 from vector<1x1xf32>
      %sub3A_28 = arith.subf %squeeze3A_25, %squeeze3A_27 : f32
      %add3A = arith.addf %mul3A, %sub3A_28 : f32
      %slice3A_29 = vector.extract_strided_slice %get3A_13 {offsets = [0, 0], sizes = [1, 1], strides = [1, 1]} : vector<1x2xf32> to vector<1x1xf32>
      %squeeze3A_30 = vector.extract %slice3A_29[0, 0] : f32 from vector<1x1xf32>
      %broadcast_in_dim3A = vector.broadcast %squeeze3A_30 : f32 to vector<1x128xf32>
      %swap3A_31 = arith.constant 0 : index
      %swap3A_32 = arith.constant 0 : index
      %swap3A_33 = vector.load %arg7[%swap3A_31, %swap3A_32] : memref<3x128xf32, #tpu.memory_space<vmem>>, vector<1x128xf32>
      tpu.vector_store %arg7[%swap3A_31, %swap3A_32], %broadcast_in_dim3A {strides = array<i32>} : memref<3x128xf32, #tpu.memory_space<vmem>>, vector<1x128xf32>,
      %slice3A_34 = vector.extract_strided_slice %get3A_13 {offsets = [0, 1], sizes = [1, 1], strides = [1, 1]} : vector<1x2xf32> to vector<1x1xf32>
      %squeeze3A_35 = vector.extract %slice3A_34[0, 0] : f32 from vector<1x1xf32>
      %broadcast_in_dim3A_36 = vector.broadcast %squeeze3A_35 : f32 to vector<1x128xf32>
      %swap3A_37 = arith.constant 1 : index
      %swap3A_38 = arith.constant 0 : index
      %swap3A_39 = vector.load %arg7[%swap3A_37, %swap3A_38] : memref<3x128xf32, #tpu.memory_space<vmem>>, vector<1x128xf32>
      tpu.vector_store %arg7[%swap3A_37, %swap3A_38], %broadcast_in_dim3A_36 {strides = array<i32>} : memref<3x128xf32, #tpu.memory_space<vmem>>, vector<1x128xf32>,
      %broadcast_in_dim3A_40 = vector.broadcast %add3A : f32 to vector<1x128xf32>
      %swap3A_41 = arith.constant 2 : index
      %swap3A_42 = arith.constant 0 : index
      %swap3A_43 = vector.load %arg7[%swap3A_41, %swap3A_42] : memref<3x128xf32, #tpu.memory_space<vmem>>, vector<1x128xf32>
      tpu.vector_store %arg7[%swap3A_41, %swap3A_42], %broadcast_in_dim3A_40 {strides = array<i32>} : memref<3x128xf32, #tpu.memory_space<vmem>>, vector<1x128xf32>,
    } else {
    }
    return
  }
  func.func @transform_0(%arg0: i32) -> (i32, i32) {
    %c0_i32 = arith.constant 0 : i32
    %c0_i32_0 = arith.constant 0 : i32
    return %c0_i32, %arg0 : i32, i32
  }
  func.func @transform_1(%arg0: i32) -> (i32, i32) {
    %c0_i32 = arith.constant 0 : i32
    %c0_i32_0 = arith.constant 0 : i32
    %c0_i32_1 = arith.constant 0 : i32
    return %c0_i32, %c0_i32_0 : i32, i32
  }
  func.func @transform_2(%arg0: i32) -> (i32, i32) {
    %c0_i32 = arith.constant 0 : i32
    %c0_i32_0 = arith.constant 0 : i32
    %c0_i32_1 = arith.constant 0 : i32
    return %c0_i32, %c0_i32_0 : i32, i32
  }
  func.func @transform_3(%arg0: i32) -> (i32, i32) {
    %c0_i32 = arith.constant 0 : i32
    %c0_i32_0 = arith.constant 0 : i32
    %c0_i32_1 = arith.constant 0 : i32
    return %c0_i32, %c0_i32_0 : i32, i32
  }
  func.func @transform_4(%arg0: i32) -> (i32, i32) {
    %c0_i32 = arith.constant 0 : i32
    %c0_i32_0 = arith.constant 0 : i32
    %c0_i32_1 = arith.constant 0 : i32
    return %c0_i32, %c0_i32_0 : i32, i32
  }
  func.func @transform_5(%arg0: i32) -> (i32, i32) {
    %c0_i32 = arith.constant 0 : i32
    %c0_i32_0 = arith.constant 0 : i32
    return %arg0, %c0_i32 : i32, i32
  }
  func.func @transform_6(%arg0: i32) -> (i32, i32) {
    %c0_i32 = arith.constant 0 : i32
    %c0_i32_0 = arith.constant 0 : i32
    %c0_i32_1 = arith.constant 0 : i32
    return %c0_i32, %c0_i32_0 : i32, i32
  }
}

</mosaic_0001>

<sc_bundles>
// kernel: kernel.4.cloned.1.call-start
scs
__scs_entry_jumppad:
0x0: {  	(pc) =	sbr.rel $0x88, $3  }
0x1: {  	(tag) =	ssettag $0x0;
	lr =	simm.s32 $0x1  }
0x2: {  	[smem:$0x3F9B] =	sst lr;
	_ =	strace $0xD0000000  }
0x3: {  	_ = 	snop  }
0x4: {  	_ = 	snop  }
0x5: {  	_ = 	snop  }
0x6: {  	_ = 	snop  }
0x7: {  	_ = 	snop  }
__scs_overlays_trampoline_lowered:
0x8: {  	[smem:$0x3FAA] =	sst s0  }
0x9: {  	[smem:$0x3FAB] =	sst s1  }
0xa: {  	[smem:$0x3FAC] =	sst s2  }
0xb: {  	[smem:$0x3FAD] =	sst s3  }
0xc: {  	[smem:$0x3FAE] =	sst s4  }
0xd: {  	[smem:$0x3FAF] =	sst s5  }
0xe: {  	[smem:$0x3FB0] =	sst s6  }
0xf: {  	[smem:$0x3FB1] =	sst s7  }
0x10: {  	[smem:$0x3FB2] =	sst s8  }
0x11: {  	[smem:$0x3FB3] =	sst s9;
	s0 =	simm.s32 @!p0 $0x0  }
0x12: {  	s1 =	sld [smem:$0x3F99];
	s0 =	simm.s32 @p0 $0x1  }
0x13: {  	[smem:$0x3FB4] =	sst s0;
	s0 =	simm.s32 @!p1 $0x0  }
0x14: {  	s2 =	sld [smem:$0x3F98];
	s0 =	simm.s32 @p1 $0x1  }
0x15: {  	[smem:$0x3FB5] =	sst s0;
	s0 =	simm.s32 @!p2 $0x0  }
0x16: {  	s3 =	sld [smem:$0x3FDB];
	s0 =	simm.s32 @p2 $0x1  }
0x17: {  	s4 =	simm.s32 $0x1BF5;
	[smem:$0x3FB7] =	sst s0  }
0x18: {  	s0 =	sld [smem:$0x3F9A];
	_ =	swait.ge [sflag:s4], $0x0  }
0x19: {  	s7 =	sld [smem:$0x3F9B]  }
0x1a: {  	s8 =	sadd.s32 $0xFFFFE003, lr  }
0x1b: {  	s9 =	sadd.s32 $0xFFFFFEF7, lr;
	s5 =	simm.s32 $0xFFFFFFFF;
	p2 =	slt.u32 s8, $0xFFFFF086  }
0x1c: {  	p1 =	slt.u32 s9, $0xF7A;
	s5 =	simm.s32 @!p2 $0x0  }
0x1d: {  	s5 =	simm.s32 @p1 $0x1;
	p0 =	seq.s32 s7, s2  }
0x1e: {  	s7 =	smul.u32 @!p0 $0xF7A, s2;
	p2 =	seq.s32 @!p0 s5, $0x0  }
0x1f: {  	s9 =	smul.u32 $0xF7A, s1;
	s8 =	simm.s32 @!p0 $0x1BF5;
	p2 =	por !p2, p0  }
0x20: {  	[sflag:s8] =	ssyncset.s32 @!p0 $0xFFFFF086;
	s6 =	sadd.s32 @!p0 s3, s7;
	s7 =	simm.s32 @!p0 $0x108  }
0x21: {  	s3 =	sadd.s32 s3, s9;
	s6 =	sadd.s32 @!p0 $0x88, s6;
	s7 =	simm.s32 @p2 $0x1082  }
0x22: {  	[simem:s7], [sflag:s8] =	dma.local @!p0 [hbm:s6], $0xF7A  }
0x23: {  	s9 =	sor.u32 $0xD0000000, s2;
	s6 =	simm.s32 $0x108;
	_ =	swait.ge @!p0 [sflag:s8], $0x0  }
0x24: {  	s3 =	sadd.s32 $0x88, s3;
	s6 =	simm.s32 @!p1 $0x1082;
	[sflag:s4] =	ssyncset.s32 $0xFFFFF086  }
0x25: {  	[simem:s6], [sflag:s4] =	dma.local [hbm:s3], $0xF7A  }
0x26: {  	[smem:$0x3F9B] =	sst s1;
	(tag) =	ssettag s2;
	_ =	strace s9  }
0x27: {  	s1 =	sld [smem:$0x3FAB]  }
0x28: {  	s2 =	sld [smem:$0x3FAC]  }
0x29: {  	s4 =	sld [smem:$0x3FAE]  }
0x2a: {  	p0 =	seq.s32 s5, $0x0;
	s5 =	sld [smem:$0x3FAF]  }
0x2b: {  	s6 =	sld [smem:$0x3FB0]  }
0x2c: {  	s7 =	sld [smem:$0x3FB1]  }
0x2d: {  	s3 =	simm.s32 $0x108;
	s8 =	sld [smem:$0x3FB2]  }
0x2e: {  	s3 =	simm.s32 @!p0 $0x1082;
	s9 =	sld [smem:$0x3FB3]  }
0x2f: {  	lr =	sadd.s32 s0, s3;
	s0 =	sld [smem:$0x3FAA]  }
0x30: {  	s3 =	sld [smem:$0x3FAD]  }
0x31: {  	[smem:$0x3FB6] =	sst s10  }
0x32: {  	s10 =	sld [smem:$0x3FB4];
	_ =	sdelay $0x3  }
0x33: {  	p0 =	seq.s32 s10, $0x1;
	s10 =	sld [smem:$0x3FB6];
	_ =	sdelay $0x3  }
0x34: {  	[smem:$0x3FB6] =	sst s10  }
0x35: {  	s10 =	sld [smem:$0x3FB5];
	_ =	sdelay $0x3  }
0x36: {  	p1 =	seq.s32 s10, $0x1;
	s10 =	sld [smem:$0x3FB6];
	_ =	sdelay $0x3  }
0x37: {  	[smem:$0x3FB6] =	sst s10  }
0x38: {  	s10 =	sld [smem:$0x3FB7]  }
0x39: {  	_ = 	snop;
	(pc) =	sbr.ind lr, $3  }
0x3a: {  	_ = 	snop  }
0x3b: {  	_ = 	snop  }
0x3c: {  	p2 =	seq.s32 s10, $0x1;
	s10 =	sld [smem:$0x3FB6]  }
0x3d: {  	_ =	shalt  }
0x3e: {  	_ =	shalt  }
0x3f: {  	_ =	shalt  }
0x40: {  	_ =	shalt  }
0x41: {  	_ =	shalt  }
0x42: {  	_ =	shalt  }
0x43: {  	_ =	shalt  }
0x44: {  	_ =	shalt  }
0x45: {  	_ =	shalt  }
0x46: {  	_ =	shalt  }
0x47: {  	_ =	shalt  }
0x48: {  	_ =	shalt  }
0x49: {  	_ =	shalt  }
0x4a: {  	_ =	shalt  }
0x4b: {  	_ =	shalt  }
0x4c: {  	_ =	shalt  }
0x4d: {  	_ =	shalt  }
0x4e: {  	_ =	shalt  }
0x4f: {  	_ =	shalt  }
0x50: {  	_ =	shalt  }
0x51: {  	_ =	shalt  }
0x52: {  	_ =	shalt  }
0x53: {  	_ =	shalt  }
0x54: {  	_ =	shalt  }
0x55: {  	_ =	shalt  }
0x56: {  	_ =	shalt  }
0x57: {  	_ =	shalt  }
0x58: {  	_ =	shalt  }
0x59: {  	_ =	shalt  }
0x5a: {  	_ =	shalt  }
0x5b: {  	_ =	shalt  }
0x5c: {  	_ =	shalt  }
0x5d: {  	_ =	shalt  }
0x5e: {  	_ =	shalt  }
0x5f: {  	_ =	shalt  }
0x60: {  	_ =	shalt  }
0x61: {  	_ =	shalt  }
0x62: {  	_ =	shalt  }
0x63: {  	_ =	shalt  }
0x64: {  	_ =	shalt  }
0x65: {  	_ =	shalt  }
0x66: {  	_ =	shalt  }
0x67: {  	_ =	shalt  }
0x68: {  	_ =	shalt  }
0x69: {  	_ =	shalt  }
0x6a: {  	_ =	shalt  }
0x6b: {  	_ =	shalt  }
0x6c: {  	_ =	shalt  }
0x6d: {  	_ =	shalt  }
0x6e: {  	_ =	shalt  }
0x6f: {  	_ =	shalt  }
0x70: {  	_ =	shalt  }
0x71: {  	_ =	shalt  }
0x72: {  	_ =	shalt  }
0x73: {  	_ =	shalt  }
0x74: {  	_ =	shalt  }
0x75: {  	_ =	shalt  }
0x76: {  	_ =	shalt  }
0x77: {  	_ =	shalt  }
0x78: {  	_ =	shalt  }
0x79: {  	_ =	shalt  }
0x7a: {  	_ =	shalt  }
0x7b: {  	_ =	shalt  }
0x7c: {  	_ =	shalt  }
0x7d: {  	_ =	shalt  }
0x7e: {  	_ =	shalt  }
0x7f: {  	_ =	shalt  }
0x80: {  	_ =	shalt  }
0x81: {  	_ =	shalt  }
0x82: {  	_ =	shalt  }
0x83: {  	_ =	shalt  }
0x84: {  	_ =	shalt  }
0x85: {  	_ =	shalt  }
0x86: {  	_ =	shalt  }
0x87: {  	_ =	shalt  }
.Lfunc_end0:
.L_simem_size_0:
called_computation_lowered:
.L_overlay_start_0:
0x88: {  	s2 =	sld [smem:$0x3FD9]  }
0x89: {  	s3 =	sld [smem:$0x3FFE];
	_ =	sdelay $0x1  }
0x8a: {  	s1 =	srdreg.scid  }
0x8b: {  	s0 =	sand.u32 $0x1, s1  }
0x8c: {  	s17 =	sshll.u32 s0, $0xA;
	s2 =	sadd.s32 s3, s2  }
0x8d: {  	s2 =	sadd.s32 s2, s17  }
0x8e: {  	[smem:$0x3FC2] =	sst s2  }
0x8f: {  	_ = 	snop  }
0x90: {  	s2 =	sld [smem:$0x3FC9]  }
0x91: {  	s18 =	sld [smem:$0x3FD0];
	(tm) =	ssettm $0x1  }
0x92: {  	s4 =	sld [smem:$0x3FFB];
	_ =	sdelay $0x3  }
0x93: {  	_ =	strace s4  }
0x94: {  	s4 =	sld [smem:$0x3FFC];
	_ =	sdelay $0x3  }
0x95: {  	_ =	strace s4  }
0x96: {  	s4 =	sld [smem:$0x3FFD];
	_ =	sdelay $0x3  }
0x97: {  	_ =	strace s4  }
0x98: {  	_ =	strace $0x8FFFFFFF  }
0x99: {  	s19 =	sld [smem:$0x3FDB];
	_ =	sdelay $0x1  }
0x9a: {  	s5 =	simm.s32 $_scs_section_size  }
0x9b: {  	s6 =	simm.s32 $_size__tile_overlayer_lowered;
	s7 =	simm.s32 $_tile_overlayer_lowered  }
0x9c: {  	s22 =	simm.s32 $0x1BFF;
	s21 =	sshll.u32 s7, $0x1;
	s4 =	sadd.s32 s5, s19  }
0x9d: {  	s8 =	simm.s32 $0x0;
	s20 =	sshll.u32 s6, $0x1;
	s6 =	sadd.s32 s21, s4  }
0x9e: {  	[timem:s8], [sflag:s22] =	dma.local [hbm:s6], s20  }
0x9f: {  	_ =	swait.ge [sflag:s22], s20  }
0xa0: {  	s5 =	ssub.s32 $0x0, s20;
	[sflag:s22] =	ssyncset.done $0x0  }
0xa1: {  	[sflag:s22] =	ssyncadd.s32 s5;
	_ =	sdelay $0x1  }
0xa2: {  	s23 =	simm.s32 $0x1B8B  }
0xa3: {  	_ =	swait.ge [sflag:s23], $0x1  }
0xa4: {  	[sflag:s23] =	ssyncset.done $0x0  }
0xa5: {  	s25 =	simm.s32 $0x1B8E;
	s24 =	sld [smem:$0x3FFE];
	[sflag:s23] =	ssyncadd.s32 $0xFFFFFFFF  }
0xa6: {  	s26 =	simm.s32 $execute0_lowered;
	[smem:$0x3FD2] =	sst s25  }
0xa7: {  	s6 =	sshll.u32 s26, $0x1;
	_ =	strace $0x80000046;
	[dreg:$0x1] =	wrdreg $0xFFFFFFFF  }
0xa8: {  	s28 =	simm.s32 $_size_execute0_lowered;
	s4 =	sadd.s32 s4, s6;
	[dreg:$0x0] =	wrdreg $0x0  }
0xa9: {  	s6 =	sshll.u32 s28, $0x1;
	[dreg:$0x2] =	wrdreg s4  }
0xaa: {  	[dreg:$0x3] =	wrdreg s6  }
0xab: {  	[dreg:$0x4] =	wrdreg $0xC0  }
0xac: {  	_ =	task [dreg:s8], $0x5FFFF  }
0xad: {  	[dreg:$0x1] =	wrdreg $0xFFFFFFFF  }
0xae: {  	[dreg:$0x0] =	wrdreg $0x60  }
0xaf: {  	[dreg:$0x2] =	wrdreg s2  }
0xb0: {  	[dreg:$0x3] =	wrdreg s24  }
0xb1: {  	[dreg:$0x4] =	wrdreg s18  }
0xb2: {  	[dreg:$0x5] =	wrdreg $0x9  }
0xb3: {  	_ =	task.clear_ibuf [dreg:s8], $0x6FFFF;
	_ =	strace $0x90000046  }
0xb4: {  	s29 =	simm.s32 $0x9;
	_ =	strace $0x80000048  }
0xb5: {  	_ =	swait.ge [sflag:s29], $0x1  }
0xb6: {  	[sflag:s29] =	ssyncadd.s32 $0xFFFFFFFF  }
0xb7: {  	_ =	strace $0x90000048  }
0xb8: {  	_ =	sfence  }
0xb9: {  	s30 =	sld [smem:$0x0];
	_ =	sdelay $0x2  }
0xba: {  	s31 =	sshll.u32 s1, $0xD;
	s1 =	sshrl.u32 s1, $0x2  }
0xbb: {  	s3 =	sand.u32 $0x4000, s31;
	s1 =	sadd.s32 s1, s30  }
0xbc: {  	s0 =	sor.u32 s3, s0;
	s1 =	sshll.u32 s1, $0x11  }
0xbd: {  	s0 =	sor.u32 s1, s0  }
0xbe: {  	s0 =	sadd.s32 $0x8F2B, s0  }
0xbf: {  	[sflag:s0] =	ssyncadd.remote.s32 $0x1  }
0xc0: {  	_ =	sfence.sel $0xFFFF  }
0xc1: {  	[dreg:$0x0] =	wrdreg $0xFFFFFFFF;
	(pc) =	sbr.abs _section_cstart, $3  }
0xc2: {  	[dreg:$0x1] =	wrdreg $0xFFFFFFFF  }
0xc3: {  	_ =	task.clear_ibuf [dreg:s8], $0x2FFFF;
	_ =	strace $0x9FFFFFFF  }
0xc4: {  	(tm) =	ssettm $0x7FFFFFFF  }
0xc5: {  	_ =	shalt  }
tec
execute0_lowered:
.L_overlay_start_1:
0x0: {  	(tag) =	ssettag $0x1  }
0x1: {  	s0 =	rddreg [dreg:$0x0]  }
0x2: {  	s4 =	rddreg [dreg:$0x1]  }
0x3: {  	s6 =	rddreg [dreg:$0x2]  }
0x4: {  	s2 =	simm.s32 $0x0;
	s3 =	srdreg.scid;
	s1 =	stileid.u32  }
0x5: {  	s10 =	simm.s32 $0x80;
	s11 =	simm.s32 $0x400;
	s12 =	simm.s32 $0x800  }
0x6: {  	s13 =	simm.s32 $0x480;
	s14 =	simm.s32 $0x1000;
	s15 =	simm.s32 $0x500  }
0x7: {  	s16 =	simm.s32 $0x1800;
	s17 =	simm.s32 $0x580;
	s18 =	simm.s32 $0x2000  }
0x8: {  	s19 =	simm.s32 $0x600;
	s20 =	simm.s32 $0x2800;
	s21 =	simm.s32 $0x680  }
0x9: {  	s22 =	simm.s32 $0x3000;
	s23 =	simm.s32 $0x700;
	s24 =	simm.s32 $0x3800  }
0xa: {  	s25 =	simm.s32 $0x780;
	s26 =	simm.s32 $0x4000;
	s28 =	simm.s32 $0x1  }
0xb: {  	s29 =	simm.s32 $0x4980;
	s30 =	simm.s32 $0x0;
	[smem:$0x7FF] =	sst s2  }
0xc: {  	s3 =	sand.u32 $0x1, s3;
	s7 =	sshll.u32 s1, $0x8;
	_ =	strace $0x80000047  }
0xd: {  	s5 =	ssub.s32 $0x2, s3;
	s8 =	sshll.u32 s3, $0x7;
	s3 =	sadd.s32 $0x1000, s4  }
0xe: {  	v0 =	vlaneseq.u32;
	s4 =	sadd.s32 $0x21000, s4;
	s9 =	sshrl.u32 s5, $0x1;
	s7 =	sor.u32 s8, s7  }
0xf: {  	v2 =	vand.u32 $0x7, v0;
	s8 =	simm.s32 $0x2;
	s31 =	ssub.s32 s5, s9;
	s5 =	sadd.s32 s0, s7  }
0x10: {  	v1 =	vor.u32 $0x78, v2;
	v2 =	vor.u32 $0x80, v2;
	s6 =	sadd.s32 s6, s7;
	s9 =	simm.s32 $0x4800;
	s7 =	smax.u32 s31, $0x1  }
.LBB2_1:
0x11: {  	[tilespmem:s2], [sflag:$0x2] =	stream.linear.gather [hbm4b:s5+s2], $0x400, $0x38;
	[tilespmem:$0x4D80] =	vst v63  }
0x12: {  	_ =	swait.ge [sflag:s8], $0x400  }
0x13: {  	[sflag:s8] =	ssyncset.done $0x0  }
0x14: {  	[sflag:s8] =	ssyncadd.s32 $0xFFFFFC00  }
0x15: {  	[tilespmem:s9], [sflag:$0x2] =	stream.linear.gather [hbm4b:s4+s2], $0x180, $0x38;
	[tilespmem:$0x4D80] =	vst v63  }
0x16: {  	_ =	swait.ge [sflag:s8], $0x180  }
0x17: {  	[sflag:s8] =	ssyncset.done $0x0  }
0x18: {  	[sflag:s8] =	ssyncadd.s32 $0xFFFFFE80  }
0x19: {  	v3 =	vld [tilespmem:$0x0]  }
0x1a: {  	v4 =	vld [tilespmem:$0x10]  }
0x1b: {  	v5 =	vld [tilespmem:$0x20]  }
0x1c: {  	v6 =	vld [tilespmem:$0x30]  }
0x1d: {  	v7 =	vld [tilespmem:$0x40]  }
0x1e: {  	v8 =	vld [tilespmem:$0x50];
	v3 =	vshrl.u32 v3, $0x4  }
0x1f: {  	[tilespmem:$0x400] =	vst v3;
	v3 =	vshrl.u32 v4, $0x4;
	v4 =	vld [tilespmem:$0x60]  }
0x20: {  	[tilespmem:$0x410] =	vst v3;
	v3 =	vshrl.u32 v5, $0x4;
	v5 =	vld [tilespmem:$0x70]  }
0x21: {  	[tilespmem:$0x420] =	vst v3;
	v3 =	vshrl.u32 v6, $0x4;
	v6 =	vld [tilespmem:$0x80]  }
0x22: {  	[tilespmem:$0x430] =	vst v3;
	v3 =	vshrl.u32 v7, $0x4;
	v7 =	vld [tilespmem:$0x90]  }
0x23: {  	[tilespmem:$0x440] =	vst v3;
	v3 =	vshrl.u32 v8, $0x4;
	v8 =	vld [tilespmem:$0xA0]  }
0x24: {  	[tilespmem:$0x450] =	vst v3;
	v3 =	vshrl.u32 v4, $0x4;
	v4 =	vld [tilespmem:$0xB0]  }
0x25: {  	[tilespmem:$0x460] =	vst v3;
	v3 =	vshrl.u32 v5, $0x4;
	v5 =	vld [tilespmem:$0xC0]  }
0x26: {  	[tilespmem:$0x470] =	vst v3;
	v3 =	vshrl.u32 v6, $0x4;
	v6 =	vld [tilespmem:$0xD0]  }
0x27: {  	[tilespmem:$0x480] =	vst v3;
	v3 =	vshrl.u32 v7, $0x4;
	v7 =	vld [tilespmem:$0xE0]  }
0x28: {  	[tilespmem:$0x490] =	vst v3;
	v3 =	vshrl.u32 v8, $0x4;
	v8 =	vld [tilespmem:$0xF0]  }
0x29: {  	[tilespmem:$0x4A0] =	vst v3;
	v3 =	vshrl.u32 v4, $0x4;
	v4 =	vld [tilespmem:$0x100]  }
0x2a: {  	[tilespmem:$0x4B0] =	vst v3;
	v3 =	vshrl.u32 v5, $0x4;
	v5 =	vld [tilespmem:$0x110]  }
0x2b: {  	[tilespmem:$0x4C0] =	vst v3;
	v3 =	vshrl.u32 v6, $0x4;
	v6 =	vld [tilespmem:$0x120]  }
0x2c: {  	[tilespmem:$0x4D0] =	vst v3;
	v3 =	vshrl.u32 v7, $0x4;
	v7 =	vld [tilespmem:$0x130]  }
0x2d: {  	[tilespmem:$0x4E0] =	vst v3;
	v3 =	vshrl.u32 v8, $0x4;
	v8 =	vld [tilespmem:$0x140]  }
0x2e: {  	[tilespmem:$0x4F0] =	vst v3;
	v3 =	vshrl.u32 v4, $0x4;
	v4 =	vld [tilespmem:$0x150]  }
0x2f: {  	[tilespmem:$0x500] =	vst v3;
	v3 =	vshrl.u32 v5, $0x4;
	v5 =	vld [tilespmem:$0x160]  }
0x30: {  	[tilespmem:$0x510] =	vst v3;
	v3 =	vshrl.u32 v6, $0x4;
	v6 =	vld [tilespmem:$0x170]  }
0x31: {  	[tilespmem:$0x520] =	vst v3;
	v3 =	vshrl.u32 v7, $0x4;
	v7 =	vld [tilespmem:$0x180]  }
0x32: {  	[tilespmem:$0x530] =	vst v3;
	v3 =	vshrl.u32 v8, $0x4;
	v8 =	vld [tilespmem:$0x190]  }
0x33: {  	[tilespmem:$0x540] =	vst v3;
	v3 =	vshrl.u32 v4, $0x4;
	v4 =	vld [tilespmem:$0x1A0]  }
0x34: {  	[tilespmem:$0x550] =	vst v3;
	v3 =	vshrl.u32 v5, $0x4;
	v5 =	vld [tilespmem:$0x1B0]  }
0x35: {  	[tilespmem:$0x560] =	vst v3;
	v3 =	vshrl.u32 v6, $0x4;
	v6 =	vld [tilespmem:$0x1C0]  }
0x36: {  	[tilespmem:$0x570] =	vst v3;
	v3 =	vshrl.u32 v7, $0x4;
	v7 =	vld [tilespmem:$0x1D0]  }
0x37: {  	[tilespmem:$0x580] =	vst v3;
	v3 =	vshrl.u32 v8, $0x4;
	v8 =	vld [tilespmem:$0x1E0]  }
0x38: {  	[tilespmem:$0x590] =	vst v3;
	v3 =	vshrl.u32 v4, $0x4;
	v4 =	vld [tilespmem:$0x1F0]  }
0x39: {  	[tilespmem:$0x5A0] =	vst v3;
	v3 =	vshrl.u32 v5, $0x4;
	v5 =	vld [tilespmem:$0x200]  }
0x3a: {  	[tilespmem:$0x5B0] =	vst v3;
	v3 =	vshrl.u32 v6, $0x4;
	v6 =	vld [tilespmem:$0x210]  }
0x3b: {  	[tilespmem:$0x5C0] =	vst v3;
	v3 =	vshrl.u32 v7, $0x4;
	v7 =	vld [tilespmem:$0x220]  }
0x3c: {  	[tilespmem:$0x5D0] =	vst v3;
	v3 =	vshrl.u32 v8, $0x4;
	v8 =	vld [tilespmem:$0x230]  }
0x3d: {  	[tilespmem:$0x5E0] =	vst v3;
	v3 =	vshrl.u32 v4, $0x4;
	v4 =	vld [tilespmem:$0x240]  }
0x3e: {  	[tilespmem:$0x5F0] =	vst v3;
	v3 =	vshrl.u32 v5, $0x4;
	v5 =	vld [tilespmem:$0x250]  }
0x3f: {  	[tilespmem:$0x600] =	vst v3;
	v3 =	vshrl.u32 v6, $0x4;
	v6 =	vld [tilespmem:$0x260]  }
0x40: {  	[tilespmem:$0x610] =	vst v3;
	v3 =	vshrl.u32 v7, $0x4;
	v7 =	vld [tilespmem:$0x270]  }
0x41: {  	[tilespmem:$0x620] =	vst v3;
	v3 =	vshrl.u32 v8, $0x4;
	v8 =	vld [tilespmem:$0x280]  }
0x42: {  	[tilespmem:$0x630] =	vst v3;
	v3 =	vshrl.u32 v4, $0x4;
	v4 =	vld [tilespmem:$0x290]  }
0x43: {  	[tilespmem:$0x640] =	vst v3;
	v3 =	vshrl.u32 v5, $0x4;
	v5 =	vld [tilespmem:$0x2A0]  }
0x44: {  	[tilespmem:$0x650] =	vst v3;
	v3 =	vshrl.u32 v6, $0x4;
	v6 =	vld [tilespmem:$0x2B0]  }
0x45: {  	[tilespmem:$0x660] =	vst v3;
	v3 =	vshrl.u32 v7, $0x4;
	v7 =	vld [tilespmem:$0x2C0]  }
0x46: {  	[tilespmem:$0x670] =	vst v3;
	v3 =	vshrl.u32 v8, $0x4;
	v8 =	vld [tilespmem:$0x2D0]  }
0x47: {  	[tilespmem:$0x680] =	vst v3;
	v3 =	vshrl.u32 v4, $0x4;
	v4 =	vld [tilespmem:$0x2E0]  }
0x48: {  	[tilespmem:$0x690] =	vst v3;
	v3 =	vshrl.u32 v5, $0x4;
	v5 =	vld [tilespmem:$0x2F0]  }
0x49: {  	[tilespmem:$0x6A0] =	vst v3;
	v3 =	vshrl.u32 v6, $0x4;
	v6 =	vld [tilespmem:$0x300]  }
0x4a: {  	[tilespmem:$0x6B0] =	vst v3;
	v3 =	vshrl.u32 v7, $0x4;
	v7 =	vld [tilespmem:$0x310]  }
0x4b: {  	[tilespmem:$0x6C0] =	vst v3;
	v3 =	vshrl.u32 v8, $0x4;
	v8 =	vld [tilespmem:$0x320]  }
0x4c: {  	[tilespmem:$0x6D0] =	vst v3;
	v3 =	vshrl.u32 v4, $0x4;
	v4 =	vld [tilespmem:$0x330]  }
0x4d: {  	[tilespmem:$0x6E0] =	vst v3;
	v3 =	vshrl.u32 v5, $0x4;
	v5 =	vld [tilespmem:$0x340]  }
0x4e: {  	[tilespmem:$0x6F0] =	vst v3;
	v3 =	vshrl.u32 v6, $0x4;
	v6 =	vld [tilespmem:$0x350]  }
0x4f: {  	[tilespmem:$0x700] =	vst v3;
	v3 =	vshrl.u32 v7, $0x4;
	v7 =	vld [tilespmem:$0x360]  }
0x50: {  	[tilespmem:$0x710] =	vst v3;
	v3 =	vshrl.u32 v8, $0x4;
	v8 =	vld [tilespmem:$0x370]  }
0x51: {  	[tilespmem:$0x720] =	vst v3;
	v3 =	vshrl.u32 v4, $0x4;
	v4 =	vld [tilespmem:$0x380]  }
0x52: {  	[tilespmem:$0x730] =	vst v3;
	v3 =	vshrl.u32 v5, $0x4;
	v5 =	vld [tilespmem:$0x390]  }
0x53: {  	[tilespmem:$0x740] =	vst v3;
	v3 =	vshrl.u32 v6, $0x4;
	v6 =	vld [tilespmem:$0x3A0]  }
0x54: {  	[tilespmem:$0x750] =	vst v3;
	v3 =	vshrl.u32 v7, $0x4;
	v7 =	vld [tilespmem:$0x3B0]  }
0x55: {  	[tilespmem:$0x760] =	vst v3;
	v3 =	vshrl.u32 v8, $0x4;
	v8 =	vld [tilespmem:$0x3C0]  }
0x56: {  	[tilespmem:$0x770] =	vst v3;
	v3 =	vshrl.u32 v4, $0x4;
	v4 =	vld [tilespmem:$0x3D0]  }
0x57: {  	[tilespmem:$0x780] =	vst v3;
	v3 =	vshrl.u32 v5, $0x4;
	v5 =	vld [tilespmem:$0x3E0]  }
0x58: {  	[tilespmem:$0x790] =	vst v3;
	v3 =	vshrl.u32 v6, $0x4;
	v6 =	vld [tilespmem:$0x3F0]  }
0x59: {  	[tilespmem:$0x7A0] =	vst v3;
	v3 =	vshrl.u32 v7, $0x4  }
0x5a: {  	[tilespmem:$0x7B0] =	vst v3;
	v3 =	vshrl.u32 v8, $0x4  }
0x5b: {  	[tilespmem:$0x7C0] =	vst v3;
	v3 =	vshrl.u32 v4, $0x4  }
0x5c: {  	[tilespmem:$0x7D0] =	vst v3;
	v3 =	vshrl.u32 v5, $0x4  }
0x5d: {  	[tilespmem:$0x7E0] =	vst v3;
	v3 =	vshrl.u32 v6, $0x4  }
0x5e: {  	[tilespmem:$0x7F0] =	vst v3  }
0x5f: {  	[tilespmem:s12], [sflag:$0x1] =	stream.indirect.gather [hbm4b:s3+s10], $0x10, s11, s10, $0xb8;
	[tilespmem:$0x4D80] =	vst v63  }
0x60: {  	_ = 	snop  }
0x61: {  	[tilespmem:s14], [sflag:$0x1] =	stream.indirect.gather [hbm4b:s3+s10], $0x10, s13, s10, $0xb8;
	[tilespmem:$0x4D80] =	vst v63  }
0x62: {  	_ = 	snop  }
0x63: {  	[tilespmem:s16], [sflag:$0x1] =	stream.indirect.gather [hbm4b:s3+s10], $0x10, s15, s10, $0xb8;
	[tilespmem:$0x4D80] =	vst v63  }
0x64: {  	_ = 	snop  }
0x65: {  	[tilespmem:s18], [sflag:$0x1] =	stream.indirect.gather [hbm4b:s3+s10], $0x10, s17, s10, $0xb8;
	[tilespmem:$0x4D80] =	vst v63  }
0x66: {  	_ = 	snop  }
0x67: {  	[tilespmem:s20], [sflag:$0x1] =	stream.indirect.gather [hbm4b:s3+s10], $0x10, s19, s10, $0xb8;
	[tilespmem:$0x4D80] =	vst v63  }
0x68: {  	_ = 	snop  }
0x69: {  	[tilespmem:s22], [sflag:$0x1] =	stream.indirect.gather [hbm4b:s3+s10], $0x10, s21, s10, $0xb8;
	[tilespmem:$0x4D80] =	vst v63  }
0x6a: {  	_ = 	snop  }
0x6b: {  	[tilespmem:s24], [sflag:$0x1] =	stream.indirect.gather [hbm4b:s3+s10], $0x10, s23, s10, $0xb8;
	[tilespmem:$0x4D80] =	vst v63  }
0x6c: {  	_ = 	snop  }
0x6d: {  	[tilespmem:s26], [sflag:$0x1] =	stream.indirect.gather [hbm4b:s3+s10], $0x10, s25, s10, $0xb8;
	[tilespmem:$0x4D80] =	vst v63  }
0x6e: {  	_ =	swait.ge [sflag:s28], $0x800  }
0x6f: {  	[sflag:s28] =	ssyncset.done $0x0  }
0x70: {  	[sflag:s28] =	ssyncadd.s32 $0xFFFFF800  }
0x71: {  	_ =	swait.ge [sflag:s28], $0x800  }
0x72: {  	[sflag:s28] =	ssyncset.done $0x0  }
0x73: {  	[sflag:s28] =	ssyncadd.s32 $0xFFFFF800  }
0x74: {  	_ =	swait.ge [sflag:s28], $0x800  }
0x75: {  	[sflag:s28] =	ssyncset.done $0x0  }
0x76: {  	[sflag:s28] =	ssyncadd.s32 $0xFFFFF800  }
0x77: {  	_ =	swait.ge [sflag:s28], $0x800  }
0x78: {  	[sflag:s28] =	ssyncset.done $0x0  }
0x79: {  	[sflag:s28] =	ssyncadd.s32 $0xFFFFF800  }
0x7a: {  	_ =	swait.ge [sflag:s28], $0x800  }
0x7b: {  	[sflag:s28] =	ssyncset.done $0x0  }
0x7c: {  	[sflag:s28] =	ssyncadd.s32 $0xFFFFF800  }
0x7d: {  	_ =	swait.ge [sflag:s28], $0x800  }
0x7e: {  	v3 =	vmov s2;
	[sflag:s28] =	ssyncset.done $0x0  }
0x7f: {  	v5 =	vor.u32 s2, v0;
	v3 =	vshll.u32 v3, $0x1;
	[sflag:s28] =	ssyncadd.s32 $0xFFFFF800  }
0x80: {  	v4 =	vand.u32 $0x78, v5;
	v6 =	vand.u32 $0x300, v3;
	v3 =	vand.u32 v1, v5;
	_ =	swait.ge [sflag:s28], $0x800  }
0x81: {  	v3 =	vor.u32 v6, v3;
	v4 =	vor.u32 v6, v4;
	[sflag:s28] =	ssyncset.done $0x0  }
0x82: {  	v4 =	vor.u32 v2, v4;
	[sflag:s28] =	ssyncadd.s32 $0xFFFFF800  }
0x83: {  	_ =	swait.ge [sflag:s28], $0x800  }
0x84: {  	[sflag:s28] =	ssyncset.done $0x0  }
0x85: {  	[sflag:s28] =	ssyncadd.s32 $0xFFFFF800  }
0x86: {  	v7 =	vld.idx.msk [tilespmem:v3+s2+$0x0], $0xffff  }
0x87: {  	v8 =	vld.idx.msk [tilespmem:v4+s2+$0x0], $0xffff;
	_ =	sdelay $0x2  }
0x88: {  	v5 =	vand.u32 $0x7F, v5  }
0x89: {  	v5 =	vor.u32 v5, v6  }
0x8a: {  	v5 =	vshll.u32 v5, $0x4;
	v6 =	vand.u32 $0xF, v7;
	v7 =	vand.u32 $0xF, v8  }
0x8b: {  	v8 =	vor.u32 v5, v6;
	v5 =	vor.u32 v7, v5  }
0x8c: {  	v7 =	vor.u32 $0x800, v5;
	_ =	sdelay $0x1  }
0x8d: {  	v6 =	vld [tilespmem:$0x4880]  }
0x8e: {  	v5 =	vld [tilespmem:$0x4800]  }
0x8f: {  	v8 =	vld.idx.msk [tilespmem:v8+s12+$0x0], $0xffff  }
0x90: {  	v9 =	vld.idx.msk [tilespmem:v7+s12+$0x0], $0xffff;
	_ =	sdelay $0x3  }
0x91: {  	v7 =	vld [tilespmem:$0x4900]  }
0x92: {  	v8 =	vmul.f32 v8, v5;
	v9 =	vmul.f32 v9, v6;
	_ =	sdelay $0x1  }
0x93: {  	v8 =	vadd.f32 v9, v8;
	_ =	sdelay $0x1  }
0x94: {  	v8 =	vadd.f32 v8, v7;
	_ =	sdelay $0x1  }
0x95: {  	v8 =	vmul.f32 $1.442695020e+00, v8;
	_ =	sdelay $0x1  }
0x96: {  	(erf) = vpow2.f32 v8;
	_ =	sdelay $0x8  }
0x97: {  	v8 =	vpop (erf)  }
0x98: {  	v8 =	vadd.f32 $1.000000000e+00, v8;
	_ =	sdelay $0x1  }
0x99: {  	(erf) = vrcp.f32 v8;
	_ =	sdelay $0x3  }
0x9a: {  	s31 =	simm.s32 $0x10  }
0x9b: {  	s0 =	simm.s32 $0x20;
	v8 =	vmov s31  }
.LBB2_2:
0x9c: {  	p0 =	sne.s32 s0, $0x1F0;
	v9 =	vor.u32 s31, v0;
	v8 =	vshll.u32 v8, $0x1;
	s31 =	smov.u32 s0  }
0x9d: {  	v10 =	vand.u32 $0x78, v9;
	v8 =	vand.u32 $0x300, v8;
	v11 =	vand.u32 v1, v9  }
0x9e: {  	v11 =	vor.u32 v8, v11;
	v10 =	vor.u32 v8, v10  }
0x9f: {  	v10 =	vor.u32 v2, v10;
	v12 =	vpop (erf)  }
0xa0: {  	v13 =	vsub.f32 $1.000000000e+00, v12  }
0xa1: {  	[tilespmem:v3+s29+$0x0] =	vst.idx.msk $0xffff, v12;
	v3 =	vmov v11  }
0xa2: {  	[tilespmem:v4+s29+$0x0] =	vst.idx.msk $0xffff, v13;
	v4 =	vmov v10  }
0xa3: {  	v11 =	vld.idx.msk [tilespmem:v11+s2+$0x0], $0xffff  }
0xa4: {  	v10 =	vld.idx.msk [tilespmem:v10+s2+$0x0], $0xffff;
	_ =	sdelay $0x3  }
0xa5: {  	v9 =	vand.u32 $0x7F, v9  }
0xa6: {  	v8 =	vor.u32 v9, v8  }
0xa7: {  	v8 =	vshll.u32 v8, $0x4;
	v9 =	vand.u32 $0xF, v11;
	v10 =	vand.u32 $0xF, v10  }
0xa8: {  	v9 =	vor.u32 v8, v9;
	v8 =	vor.u32 v10, v8  }
0xa9: {  	v8 =	vor.u32 $0x800, v8;
	_ =	sdelay $0x3  }
0xaa: {  	v9 =	vld.idx.msk [tilespmem:v9+s12+$0x0], $0xffff  }
0xab: {  	v8 =	vld.idx.msk [tilespmem:v8+s12+$0x0], $0xffff;
	_ =	sdelay $0x5  }
0xac: {  	v9 =	vmul.f32 v9, v5;
	v8 =	vmul.f32 v8, v6;
	_ =	sdelay $0x1  }
0xad: {  	v8 =	vadd.f32 v8, v9;
	_ =	sdelay $0x1  }
0xae: {  	v8 =	vadd.f32 v8, v7;
	_ =	sdelay $0x1  }
0xaf: {  	v8 =	vmul.f32 $1.442695020e+00, v8;
	_ =	sdelay $0x1  }
0xb0: {  	(erf) = vpow2.f32 v8;
	_ =	sdelay $0x8  }
0xb1: {  	v8 =	vpop (erf)  }
0xb2: {  	v8 =	vadd.f32 $1.000000000e+00, v8;
	_ =	sdelay $0x1  }
0xb3: {  	(erf) = vrcp.f32 v8  }
.Ltmp0:
0xb4: {  	(pc) =	sbr.rel @p0 .LBB2_2-.Ltmp0, $2  }
0xb5: {  	_ =	sdelay $0x2  }
0xb6: {  	s0 =	sadd.s32 $0x10, s0;
	v8 =	vmov s31  }
0xb7: {  	v9 =	vor.u32 s31, v0;
	v8 =	vshll.u32 v8, $0x1  }
0xb8: {  	v10 =	vand.u32 $0x78, v9;
	v8 =	vand.u32 $0x300, v8;
	v11 =	vand.u32 v1, v9  }
0xb9: {  	v11 =	vor.u32 v8, v11;
	v10 =	vor.u32 v8, v10  }
0xba: {  	v10 =	vor.u32 v2, v10;
	v12 =	vpop (erf)  }
0xbb: {  	v13 =	vsub.f32 $1.000000000e+00, v12  }
0xbc: {  	[tilespmem:v3+s29+$0x0] =	vst.idx.msk $0xffff, v12  }
0xbd: {  	[tilespmem:v4+s29+$0x0] =	vst.idx.msk $0xffff, v13  }
0xbe: {  	v3 =	vld.idx.msk [tilespmem:v11+s2+$0x0], $0xffff  }
0xbf: {  	v4 =	vld.idx.msk [tilespmem:v10+s2+$0x0], $0xffff;
	_ =	sdelay $0x2  }
0xc0: {  	v9 =	vand.u32 $0x7F, v9  }
0xc1: {  	v8 =	vor.u32 v9, v8  }
0xc2: {  	v8 =	vshll.u32 v8, $0x4;
	v3 =	vand.u32 $0xF, v3;
	v4 =	vand.u32 $0xF, v4  }
0xc3: {  	v3 =	vor.u32 v8, v3;
	v4 =	vor.u32 v4, v8  }
0xc4: {  	v4 =	vor.u32 $0x800, v4;
	_ =	sdelay $0x3  }
0xc5: {  	v3 =	vld.idx.msk [tilespmem:v3+s12+$0x0], $0xffff  }
0xc6: {  	v4 =	vld.idx.msk [tilespmem:v4+s12+$0x0], $0xffff;
	_ =	sdelay $0x4  }
0xc7: {  	v3 =	vmul.f32 v3, v5;
	v4 =	vmul.f32 v4, v6;
	_ =	sdelay $0x1  }
0xc8: {  	v3 =	vadd.f32 v4, v3;
	_ =	sdelay $0x1  }
0xc9: {  	v3 =	vadd.f32 v3, v7;
	_ =	sdelay $0x1  }
0xca: {  	v3 =	vmul.f32 $1.442695020e+00, v3;
	_ =	sdelay $0x1  }
0xcb: {  	(erf) = vpow2.f32 v3;
	_ =	sdelay $0x8  }
0xcc: {  	v3 =	vpop (erf)  }
0xcd: {  	v3 =	vadd.f32 $1.000000000e+00, v3;
	_ =	sdelay $0x1  }
0xce: {  	(erf) = vrcp.f32 v3;
	_ =	sdelay $0x8  }
0xcf: {  	v3 =	vpop (erf)  }
0xd0: {  	s30 =	sadd.s32 $0x1, s30;
	v63 =	vsub.f32 $1.000000000e+00, v3  }
0xd1: {  	p0 =	sne.s32 s30, s7;
	[tilespmem:v11+s29+$0x0] =	vst.idx.msk $0xffff, v3  }
.Ltmp1:
0xd2: {  	[tilespmem:v10+s29+$0x0] =	vst.idx.msk $0xffff, v63;
	(pc) =	sbr.rel @p0 .LBB2_1-.Ltmp1, $4  }
0xd3: {  	[hbm4b:s6+s2] =	stream.linear.scatter [tilespmem:s29], [sflag:$0x2], $0x400, $0x38;
	[tilespmem:$0x4D80] =	vst v63  }
0xd4: {  	_ =	swait.ge [sflag:s8], $0x400  }
0xd5: {  	[sflag:s8] =	ssyncset.done $0x0  }
0xd6: {  	[sflag:s8] =	ssyncadd.s32 $0xFFFFFC00  }
0xd7: {  	_ =	sfence.sel $0x180000  }
0xd8: {  	[bflag:$0x0] =	sbarrier.arrive $0xFFFF  }
0xd9: {  	_ =	strace $0x90000047  }
0xda: {  	[bflag:$0x2] =	sbarrier.arrive $0xFFFF  }
0xdb: {  	p0 =	sne.s32 s1, $0x0;
	s0 =	rddreg [dreg:$0x3]  }
0xdc: {  	s0 =	sadd.s32 @!p0 $0x100000, s0  }
0xdd: {  	[sflag:s0] =	ssyncadd.tile.s32 @!p0 $0x1;
	_ =	shalt  }
.Lfunc_end2:
_tile_overlayer_lowered:
.L_overlay_start_2:
0xde: {  	(tag) =	ssettag $0x2  }
0xdf: {  	s0 =	rddreg [dreg:$0x0];
	s2 =	stileid.u32  }
0xe0: {  	s1 =	rddreg [dreg:$0x1];
	p0 =	sne.s32 s2, $0x0  }
0xe1: {  	s3 =	rddreg [dreg:$0x2];
	[bflag:$0x3] =	sbarrier.arrive $0xFFFF;
	s2 =	simm.s32 @!p0 $0x1C02  }
0xe2: {  	[timem:s3], [sflag:s2] =	dma.local @!p0 [hbm:s0], s1  }
0xe3: {  	s0 =	simm.s32 @!p0 $0x2  }
0xe4: {  	_ =	swait.ge @!p0 [sflag:s0], s1  }
0xe5: {  	s1 =	ssub.s32 @!p0 $0x0, s1;
	[sflag:s0] =	ssyncset.done @!p0 $0x0  }
0xe6: {  	[sflag:s0] =	ssyncadd.s32 @!p0 s1  }
0xe7: {  	[bflag:$0x3] =	sbarrier.arrive $0xFFFF  }
0xe8: {  	_ =	shalt  }

</sc_bundles>
